<compile_context>
chip_gen: v7x
topology: tpu7x:2x2x1
jax: 0.10.2.dev20260603
libtpu: 0.0.44.dev20260713+nightly
codegen_flags: <defaults>
</compile_context>

<pallas_src>
import functools

import jax
import jax.numpy as jnp
from jax import lax
from jax.experimental import pallas as pl
from jax.experimental.pallas import tpu as pltpu
from jax.experimental.pallas import tpu_sc as plsc

V = 1000
D = 1000
B = 16384

NC = 2
NS = 16
NW = NC * NS
BPW = B // NW
CH = 32
NCH = BPW // CH

STG = 64


def _sigmoid_body(x_ref, o_ref):
    o_ref[...] = jax.nn.sigmoid(x_ref[...])


def _sigmoid_table(logits):
    return pl.pallas_call(
        _sigmoid_body,
        out_shape=jax.ShapeDtypeStruct((V, D), jnp.float32),
    )(logits)


_mesh = plsc.VectorSubcoreMesh(core_axis_name="c", subcore_axis_name="s")


@functools.partial(
    pl.kernel,
    mesh=_mesh,
    out_type=jax.ShapeDtypeStruct((B, D), jnp.float32),
    compiler_params=pltpu.CompilerParams(use_tc_tiling_on_sc=False),
    scratch_types=[
        pltpu.VMEM((NCH, CH), jnp.int32),
        pltpu.VMEM((CH, D), jnp.float32),
        pltpu.VMEM((CH, D), jnp.float32),
        pltpu.VMEM_SHARED((V, D), jnp.float32),
        pltpu.SemaphoreType.DMA,
        pltpu.SemaphoreType.DMA,
    ],
)
def _lookup(r_hbm, idx_hbm, out_hbm, idx_v, buf0, buf1, table_s, sem0, sem1):
    c = lax.axis_index("c")
    s = lax.axis_index("s")
    wid = c * NS + s

    start = jnp.minimum(s * STG, ((V - STG) // 8) * 8)
    pltpu.sync_copy(r_hbm.at[pl.ds(start, STG)], table_s.at[pl.ds(start, STG)])
    plsc.subcore_barrier()

    pltpu.sync_copy(idx_hbm.at[wid], idx_v)

    base = wid * BPW
    bufs = (buf0, buf1)
    sems = (sem0, sem1)
    copies = [None] * NCH
    copies[0] = pltpu.async_copy(table_s.at[idx_v.at[0]], bufs[0], sems[0])
    for cc in range(NCH):
        if cc + 1 < NCH:
            copies[cc + 1] = pltpu.async_copy(
                table_s.at[idx_v.at[cc + 1]], bufs[(cc + 1) % 2], sems[(cc + 1) % 2]
            )
        copies[cc].wait()
        pltpu.sync_copy(bufs[cc % 2], out_hbm.at[pl.ds(base + cc * CH, CH)])


def kernel(idx, morphisms_logits):
    r = _sigmoid_table(morphisms_logits)
    idx3 = idx.astype(jnp.int32).reshape(NW, NCH, CH)
    return _lookup(r, idx3)

# --- scband reference (transcript-rebuilt; emitter-appended) ---
"""Pipeline reference for scband-yoneda-embedding-5016521801927 (READ-ONLY COPY).

The authoritative reference and input builder live on the scoring server;
editing this copy changes nothing except your own understanding.
"""

import jax, jax.numpy as jnp
import numpy as np

VOCAB = 1000
BATCH = 16384


def setup_inputs(seed: int = 0) -> dict:
    key = jax.random.key(seed)
    k1, k2 = jax.random.split(key)
    idx = jax.random.randint(k1, (BATCH,), 0, VOCAB, dtype=jnp.int64 if jax.config.jax_enable_x64 else jnp.int32)
    morphisms_logits = jax.random.normal(k2, (VOCAB, VOCAB), dtype=jnp.float32)
    return {"idx": idx, "morphisms_logits": morphisms_logits}


def reference(idx, morphisms_logits):
    # R = sigmoid(morphisms_logits): the full morphism (relation) matrix
    R = jax.nn.sigmoid(morphisms_logits)
    # F.embedding(idx, R): row gather -> each token's Yoneda representation
    yoneda_repr = jnp.take(R, idx, axis=0)
    return yoneda_repr

if __name__ == "__main__":
    import jax
    _d = setup_inputs()
    print(jax.jit(kernel)(*tuple(_d.values())))

</pallas_src>

<mosaic_0001>
#map = affine_map<(d0, d1) -> (0, 0)>
#map1 = affine_map<(d0, d1) -> (0, 0, 0)>
module attributes {stable_mosaic.version = 14 : i64} {
  func.func @_lookup(%arg0: i32, %arg1: i32, %arg2: memref<1000x1000xf32, #tpu.memory_space<hbm>>, %arg3: memref<32x16x32xi32, #tpu.memory_space<hbm>>, %arg4: memref<16384x1000xf32, #tpu.memory_space<hbm>>, %arg5: memref<16x32xi32, #tpu.memory_space<vmem>>, %arg6: memref<32x1000xf32, #tpu.memory_space<vmem>>, %arg7: memref<32x1000xf32, #tpu.memory_space<vmem>>, %arg8: memref<1000x1000xf32, #tpu.memory_space<vmem_shared>>, %arg9: memref<!tpu.dma_semaphore, #tpu.memory_space<semaphore_mem>>, %arg10: memref<!tpu.dma_semaphore, #tpu.memory_space<semaphore_mem>>) attributes {dimension_semantics = [#tpu.dimension_semantics<core_parallel>, #tpu.dimension_semantics<subcore_parallel>], iteration_bounds = array<i64: 2, 16>, scalar_prefetch = 0 : i64, scratch_operands = 6 : i64, tpu.core_type = #tpu.core_type<sc_vector_subcore>, window_params = [{transform_indices = #map}, {transform_indices = #map1}, {transform_indices = #map}]} {
    %mul3A = arith.constant 16 : i32
    %mul3A_0 = arith.muli %arg0, %mul3A : i32
    %add3A = arith.addi %mul3A_0, %arg1 : i32
    %mul3A_1 = arith.constant 64 : i32
    %mul3A_2 = arith.muli %arg1, %mul3A_1 : i32
    %min3A = arith.constant 936 : i32
    %min3A_3 = arith.minsi %mul3A_2, %min3A : i32
    "tpu.region"() ({
      %run_scoped3A = tpu.sem_alloc : memref<!tpu.dma_semaphore, #tpu.memory_space<semaphore_mem>>
      %dma_start3A_260 = arith.constant 0 : i32
      %dma_start3A_261 = tpu.memref_slice %arg8[%min3A_3, %dma_start3A_260] : memref<1000x1000xf32, #tpu.memory_space<vmem_shared>> -> memref<64x1000xf32, #tpu.memory_space<vmem_shared>>
      %dma_start3A_262 = arith.constant 0 : i32
      %dma_start3A_263 = tpu.memref_slice %arg2[%min3A_3, %dma_start3A_262] : memref<1000x1000xf32, #tpu.memory_space<hbm>> -> memref<64x1000xf32, #tpu.memory_space<hbm>>
      tpu.enqueue_dma source(%dma_start3A_263 : memref<64x1000xf32, #tpu.memory_space<hbm>>) target(%dma_start3A_261 : memref<64x1000xf32, #tpu.memory_space<vmem_shared>>) target_semaphore(%run_scoped3A : memref<!tpu.dma_semaphore, #tpu.memory_space<semaphore_mem>>)
      %dma_wait3A_264 = arith.constant 0 : i32
      %dma_wait3A_265 = tpu.memref_slice %arg8[%min3A_3, %dma_wait3A_264] : memref<1000x1000xf32, #tpu.memory_space<vmem_shared>> -> memref<64x1000xf32, #tpu.memory_space<vmem_shared>>
      %dma_wait3A_266 = arith.constant 0 : i32
      %dma_wait3A_267 = tpu.memref_slice %arg2[%min3A_3, %dma_wait3A_266] : memref<1000x1000xf32, #tpu.memory_space<hbm>> -> memref<64x1000xf32, #tpu.memory_space<hbm>>
      tpu.wait_dma2 semaphore(%run_scoped3A : memref<!tpu.dma_semaphore, #tpu.memory_space<semaphore_mem>>) src(%dma_wait3A_267 : memref<64x1000xf32, #tpu.memory_space<hbm>>) dst(%dma_wait3A_265 : memref<64x1000xf32, #tpu.memory_space<vmem_shared>>)
      tpu.yield
    }) : () -> ()
    %barrier3A = arith.constant 0 : index
    tpu.barrier barrier_id(%barrier3A)
    "tpu.region"() ({
      %run_scoped3A = tpu.sem_alloc : memref<!tpu.dma_semaphore, #tpu.memory_space<semaphore_mem>>
      %dma_start3A_260 = arith.constant 0 : i32
      %dma_start3A_261 = arith.constant 0 : i32
      %dma_start3A_262 = tpu.memref_slice %arg3[%add3A, %dma_start3A_260, %dma_start3A_261] : memref<32x16x32xi32, #tpu.memory_space<hbm>> -> memref<1x16x32xi32, #tpu.memory_space<hbm>>
      %dma_start3A_263 = tpu.memref_squeeze %dma_start3A_262 : memref<1x16x32xi32, #tpu.memory_space<hbm>> -> memref<16x32xi32, #tpu.memory_space<hbm>>
      %dma_start3A_264 = arith.constant 0 : i32
      %dma_start3A_265 = arith.constant 0 : i32
      %dma_start3A_266 = tpu.memref_slice %arg3[%add3A, %dma_start3A_264, %dma_start3A_265] : memref<32x16x32xi32, #tpu.memory_space<hbm>> -> memref<1x16x32xi32, #tpu.memory_space<hbm>>
      %dma_start3A_267 = tpu.memref_squeeze %dma_start3A_266 : memref<1x16x32xi32, #tpu.memory_space<hbm>> -> memref<16x32xi32, #tpu.memory_space<hbm>>
      tpu.enqueue_dma source(%dma_start3A_267 : memref<16x32xi32, #tpu.memory_space<hbm>>) target(%arg5 : memref<16x32xi32, #tpu.memory_space<vmem>>) target_semaphore(%run_scoped3A : memref<!tpu.dma_semaphore, #tpu.memory_space<semaphore_mem>>)
      %dma_wait3A_268 = arith.constant 0 : i32
      %dma_wait3A_269 = arith.constant 0 : i32
      %dma_wait3A_270 = tpu.memref_slice %arg3[%add3A, %dma_wait3A_268, %dma_wait3A_269] : memref<32x16x32xi32, #tpu.memory_space<hbm>> -> memref<1x16x32xi32, #tpu.memory_space<hbm>>
      %dma_wait3A_271 = tpu.memref_squeeze %dma_wait3A_270 : memref<1x16x32xi32, #tpu.memory_space<hbm>> -> memref<16x32xi32, #tpu.memory_space<hbm>>
      %dma_wait3A_272 = arith.constant 0 : i32
      %dma_wait3A_273 = arith.constant 0 : i32
      %dma_wait3A_274 = tpu.memref_slice %arg3[%add3A, %dma_wait3A_272, %dma_wait3A_273] : memref<32x16x32xi32, #tpu.memory_space<hbm>> -> memref<1x16x32xi32, #tpu.memory_space<hbm>>
      %dma_wait3A_275 = tpu.memref_squeeze %dma_wait3A_274 : memref<1x16x32xi32, #tpu.memory_space<hbm>> -> memref<16x32xi32, #tpu.memory_space<hbm>>
      tpu.wait_dma2 semaphore(%run_scoped3A : memref<!tpu.dma_semaphore, #tpu.memory_space<semaphore_mem>>) src(%dma_wait3A_275 : memref<16x32xi32, #tpu.memory_space<hbm>>) dst(%arg5 : memref<16x32xi32, #tpu.memory_space<vmem>>)
      tpu.yield
    }) : () -> ()
    %mul3A_4 = arith.constant 512 : i32
    %mul3A_5 = arith.muli %add3A, %mul3A_4 : i32
    %dma_start3A = arith.constant 0 : i32
    %dma_start3A_6 = arith.constant 0 : i32
    %dma_start3A_7 = tpu.memref_slice %arg5[%dma_start3A, %dma_start3A_6] : memref<16x32xi32, #tpu.memory_space<vmem>> -> memref<1x32xi32, #tpu.memory_space<vmem>>
    %dma_start3A_8 = tpu.memref_squeeze %dma_start3A_7 : memref<1x32xi32, #tpu.memory_space<vmem>> -> memref<32xi32, #tpu.memory_space<vmem>>
    %dma_start3A_9 = arith.constant 0 : i32
    %dma_start3A_10 = arith.constant 0 : i32
    %dma_start3A_11 = tpu.memref_slice %arg8[%dma_start3A_9, %dma_start3A_10] : memref<1000x1000xf32, #tpu.memory_space<vmem_shared>> -> memref<1000x1000xf32, #tpu.memory_space<vmem_shared>>
    tpu.enqueue_indirect_dma source(%dma_start3A_11 : memref<1000x1000xf32, #tpu.memory_space<vmem_shared>>) target(%arg6 : memref<32x1000xf32, #tpu.memory_space<vmem>>) offsets(%dma_start3A_8 : memref<32xi32, #tpu.memory_space<vmem>>) semaphore(%arg9 : memref<!tpu.dma_semaphore, #tpu.memory_space<semaphore_mem>>)
    %dma_start3A_12 = arith.constant 1 : i32
    %dma_start3A_13 = arith.constant 0 : i32
    %dma_start3A_14 = tpu.memref_slice %arg5[%dma_start3A_12, %dma_start3A_13] : memref<16x32xi32, #tpu.memory_space<vmem>> -> memref<1x32xi32, #tpu.memory_space<vmem>>
    %dma_start3A_15 = tpu.memref_squeeze %dma_start3A_14 : memref<1x32xi32, #tpu.memory_space<vmem>> -> memref<32xi32, #tpu.memory_space<vmem>>
    %dma_start3A_16 = arith.constant 0 : i32
    %dma_start3A_17 = arith.constant 0 : i32
    %dma_start3A_18 = tpu.memref_slice %arg8[%dma_start3A_16, %dma_start3A_17] : memref<1000x1000xf32, #tpu.memory_space<vmem_shared>> -> memref<1000x1000xf32, #tpu.memory_space<vmem_shared>>
    tpu.enqueue_indirect_dma source(%dma_start3A_18 : memref<1000x1000xf32, #tpu.memory_space<vmem_shared>>) target(%arg7 : memref<32x1000xf32, #tpu.memory_space<vmem>>) offsets(%dma_start3A_15 : memref<32xi32, #tpu.memory_space<vmem>>) semaphore(%arg10 : memref<!tpu.dma_semaphore, #tpu.memory_space<semaphore_mem>>)
    %dma_wait3A = arith.constant 0 : i32
    %dma_wait3A_19 = arith.constant 0 : i32
    %dma_wait3A_20 = tpu.memref_slice %arg5[%dma_wait3A, %dma_wait3A_19] : memref<16x32xi32, #tpu.memory_space<vmem>> -> memref<1x32xi32, #tpu.memory_space<vmem>>
    %dma_wait3A_21 = tpu.memref_squeeze %dma_wait3A_20 : memref<1x32xi32, #tpu.memory_space<vmem>> -> memref<32xi32, #tpu.memory_space<vmem>>
    %dma_wait3A_22 = arith.constant 0 : i32
    %dma_wait3A_23 = arith.constant 0 : i32
    %dma_wait3A_24 = tpu.memref_slice %arg8[%dma_wait3A_22, %dma_wait3A_23] : memref<1000x1000xf32, #tpu.memory_space<vmem_shared>> -> memref<1000x1000xf32, #tpu.memory_space<vmem_shared>>
    tpu.wait_indirect_dma semaphore(%arg9 : memref<!tpu.dma_semaphore, #tpu.memory_space<semaphore_mem>>) src(%dma_wait3A_24 : memref<1000x1000xf32, #tpu.memory_space<vmem_shared>>) dst(%arg6 : memref<32x1000xf32, #tpu.memory_space<vmem>>)
    %add3A_25 = arith.constant 0 : i32
    %add3A_26 = arith.addi %mul3A_5, %add3A_25 : i32
    "tpu.region"() ({
      %run_scoped3A = tpu.sem_alloc : memref<!tpu.dma_semaphore, #tpu.memory_space<semaphore_mem>>
      %dma_start3A_260 = arith.constant 0 : i32
      %dma_start3A_261 = tpu.memref_slice %arg4[%add3A_26, %dma_start3A_260] : memref<16384x1000xf32, #tpu.memory_space<hbm>> -> memref<32x1000xf32, #tpu.memory_space<hbm>>
      %dma_start3A_262 = arith.constant 0 : i32
      %dma_start3A_263 = tpu.memref_slice %arg4[%add3A_26, %dma_start3A_262] : memref<16384x1000xf32, #tpu.memory_space<hbm>> -> memref<32x1000xf32, #tpu.memory_space<hbm>>
      tpu.enqueue_dma source(%arg6 : memref<32x1000xf32, #tpu.memory_space<vmem>>) target(%dma_start3A_263 : memref<32x1000xf32, #tpu.memory_space<hbm>>) target_semaphore(%run_scoped3A : memref<!tpu.dma_semaphore, #tpu.memory_space<semaphore_mem>>)
      %dma_wait3A_264 = arith.constant 0 : i32
      %dma_wait3A_265 = tpu.memref_slice %arg4[%add3A_26, %dma_wait3A_264] : memref<16384x1000xf32, #tpu.memory_space<hbm>> -> memref<32x1000xf32, #tpu.memory_space<hbm>>
      %dma_wait3A_266 = arith.constant 0 : i32
      %dma_wait3A_267 = tpu.memref_slice %arg4[%add3A_26, %dma_wait3A_266] : memref<16384x1000xf32, #tpu.memory_space<hbm>> -> memref<32x1000xf32, #tpu.memory_space<hbm>>
      tpu.wait_dma2 semaphore(%run_scoped3A : memref<!tpu.dma_semaphore, #tpu.memory_space<semaphore_mem>>) src(%arg6 : memref<32x1000xf32, #tpu.memory_space<vmem>>) dst(%dma_wait3A_267 : memref<32x1000xf32, #tpu.memory_space<hbm>>)
      tpu.yield
    }) : () -> ()
    %dma_start3A_27 = arith.constant 2 : i32
    %dma_start3A_28 = arith.constant 0 : i32
    %dma_start3A_29 = tpu.memref_slice %arg5[%dma_start3A_27, %dma_start3A_28] : memref<16x32xi32, #tpu.memory_space<vmem>> -> memref<1x32xi32, #tpu.memory_space<vmem>>
    %dma_start3A_30 = tpu.memref_squeeze %dma_start3A_29 : memref<1x32xi32, #tpu.memory_space<vmem>> -> memref<32xi32, #tpu.memory_space<vmem>>
    %dma_start3A_31 = arith.constant 0 : i32
    %dma_start3A_32 = arith.constant 0 : i32
    %dma_start3A_33 = tpu.memref_slice %arg8[%dma_start3A_31, %dma_start3A_32] : memref<1000x1000xf32, #tpu.memory_space<vmem_shared>> -> memref<1000x1000xf32, #tpu.memory_space<vmem_shared>>
    tpu.enqueue_indirect_dma source(%dma_start3A_33 : memref<1000x1000xf32, #tpu.memory_space<vmem_shared>>) target(%arg6 : memref<32x1000xf32, #tpu.memory_space<vmem>>) offsets(%dma_start3A_30 : memref<32xi32, #tpu.memory_space<vmem>>) semaphore(%arg9 : memref<!tpu.dma_semaphore, #tpu.memory_space<semaphore_mem>>)
    %dma_wait3A_34 = arith.constant 1 : i32
    %dma_wait3A_35 = arith.constant 0 : i32
    %dma_wait3A_36 = tpu.memref_slice %arg5[%dma_wait3A_34, %dma_wait3A_35] : memref<16x32xi32, #tpu.memory_space<vmem>> -> memref<1x32xi32, #tpu.memory_space<vmem>>
    %dma_wait3A_37 = tpu.memref_squeeze %dma_wait3A_36 : memref<1x32xi32, #tpu.memory_space<vmem>> -> memref<32xi32, #tpu.memory_space<vmem>>
    %dma_wait3A_38 = arith.constant 0 : i32
    %dma_wait3A_39 = arith.constant 0 : i32
    %dma_wait3A_40 = tpu.memref_slice %arg8[%dma_wait3A_38, %dma_wait3A_39] : memref<1000x1000xf32, #tpu.memory_space<vmem_shared>> -> memref<1000x1000xf32, #tpu.memory_space<vmem_shared>>
    tpu.wait_indirect_dma semaphore(%arg10 : memref<!tpu.dma_semaphore, #tpu.memory_space<semaphore_mem>>) src(%dma_wait3A_40 : memref<1000x1000xf32, #tpu.memory_space<vmem_shared>>) dst(%arg7 : memref<32x1000xf32, #tpu.memory_space<vmem>>)
    %add3A_41 = arith.constant 32 : i32
    %add3A_42 = arith.addi %mul3A_5, %add3A_41 : i32
    "tpu.region"() ({
      %run_scoped3A = tpu.sem_alloc : memref<!tpu.dma_semaphore, #tpu.memory_space<semaphore_mem>>
      %dma_start3A_260 = arith.constant 0 : i32
      %dma_start3A_261 = tpu.memref_slice %arg4[%add3A_42, %dma_start3A_260] : memref<16384x1000xf32, #tpu.memory_space<hbm>> -> memref<32x1000xf32, #tpu.memory_space<hbm>>
      %dma_start3A_262 = arith.constant 0 : i32
      %dma_start3A_263 = tpu.memref_slice %arg4[%add3A_42, %dma_start3A_262] : memref<16384x1000xf32, #tpu.memory_space<hbm>> -> memref<32x1000xf32, #tpu.memory_space<hbm>>
      tpu.enqueue_dma source(%arg7 : memref<32x1000xf32, #tpu.memory_space<vmem>>) target(%dma_start3A_263 : memref<32x1000xf32, #tpu.memory_space<hbm>>) target_semaphore(%run_scoped3A : memref<!tpu.dma_semaphore, #tpu.memory_space<semaphore_mem>>)
      %dma_wait3A_264 = arith.constant 0 : i32
      %dma_wait3A_265 = tpu.memref_slice %arg4[%add3A_42, %dma_wait3A_264] : memref<16384x1000xf32, #tpu.memory_space<hbm>> -> memref<32x1000xf32, #tpu.memory_space<hbm>>
      %dma_wait3A_266 = arith.constant 0 : i32
      %dma_wait3A_267 = tpu.memref_slice %arg4[%add3A_42, %dma_wait3A_266] : memref<16384x1000xf32, #tpu.memory_space<hbm>> -> memref<32x1000xf32, #tpu.memory_space<hbm>>
      tpu.wait_dma2 semaphore(%run_scoped3A : memref<!tpu.dma_semaphore, #tpu.memory_space<semaphore_mem>>) src(%arg7 : memref<32x1000xf32, #tpu.memory_space<vmem>>) dst(%dma_wait3A_267 : memref<32x1000xf32, #tpu.memory_space<hbm>>)
      tpu.yield
    }) : () -> ()
    %dma_start3A_43 = arith.constant 3 : i32
    %dma_start3A_44 = arith.constant 0 : i32
    %dma_start3A_45 = tpu.memref_slice %arg5[%dma_start3A_43, %dma_start3A_44] : memref<16x32xi32, #tpu.memory_space<vmem>> -> memref<1x32xi32, #tpu.memory_space<vmem>>
    %dma_start3A_46 = tpu.memref_squeeze %dma_start3A_45 : memref<1x32xi32, #tpu.memory_space<vmem>> -> memref<32xi32, #tpu.memory_space<vmem>>
    %dma_start3A_47 = arith.constant 0 : i32
    %dma_start3A_48 = arith.constant 0 : i32
    %dma_start3A_49 = tpu.memref_slice %arg8[%dma_start3A_47, %dma_start3A_48] : memref<1000x1000xf32, #tpu.memory_space<vmem_shared>> -> memref<1000x1000xf32, #tpu.memory_space<vmem_shared>>
    tpu.enqueue_indirect_dma source(%dma_start3A_49 : memref<1000x1000xf32, #tpu.memory_space<vmem_shared>>) target(%arg7 : memref<32x1000xf32, #tpu.memory_space<vmem>>) offsets(%dma_start3A_46 : memref<32xi32, #tpu.memory_space<vmem>>) semaphore(%arg10 : memref<!tpu.dma_semaphore, #tpu.memory_space<semaphore_mem>>)
    %dma_wait3A_50 = arith.constant 2 : i32
    %dma_wait3A_51 = arith.constant 0 : i32
    %dma_wait3A_52 = tpu.memref_slice %arg5[%dma_wait3A_50, %dma_wait3A_51] : memref<16x32xi32, #tpu.memory_space<vmem>> -> memref<1x32xi32, #tpu.memory_space<vmem>>
    %dma_wait3A_53 = tpu.memref_squeeze %dma_wait3A_52 : memref<1x32xi32, #tpu.memory_space<vmem>> -> memref<32xi32, #tpu.memory_space<vmem>>
    %dma_wait3A_54 = arith.constant 0 : i32
    %dma_wait3A_55 = arith.constant 0 : i32
    %dma_wait3A_56 = tpu.memref_slice %arg8[%dma_wait3A_54, %dma_wait3A_55] : memref<1000x1000xf32, #tpu.memory_space<vmem_shared>> -> memref<1000x1000xf32, #tpu.memory_space<vmem_shared>>
    tpu.wait_indirect_dma semaphore(%arg9 : memref<!tpu.dma_semaphore, #tpu.memory_space<semaphore_mem>>) src(%dma_wait3A_56 : memref<1000x1000xf32, #tpu.memory_space<vmem_shared>>) dst(%arg6 : memref<32x1000xf32, #tpu.memory_space<vmem>>)
    %add3A_57 = arith.constant 64 : i32
    %add3A_58 = arith.addi %mul3A_5, %add3A_57 : i32
    "tpu.region"() ({
      %run_scoped3A = tpu.sem_alloc : memref<!tpu.dma_semaphore, #tpu.memory_space<semaphore_mem>>
      %dma_start3A_260 = arith.constant 0 : i32
      %dma_start3A_261 = tpu.memref_slice %arg4[%add3A_58, %dma_start3A_260] : memref<16384x1000xf32, #tpu.memory_space<hbm>> -> memref<32x1000xf32, #tpu.memory_space<hbm>>
      %dma_start3A_262 = arith.constant 0 : i32
      %dma_start3A_263 = tpu.memref_slice %arg4[%add3A_58, %dma_start3A_262] : memref<16384x1000xf32, #tpu.memory_space<hbm>> -> memref<32x1000xf32, #tpu.memory_space<hbm>>
      tpu.enqueue_dma source(%arg6 : memref<32x1000xf32, #tpu.memory_space<vmem>>) target(%dma_start3A_263 : memref<32x1000xf32, #tpu.memory_space<hbm>>) target_semaphore(%run_scoped3A : memref<!tpu.dma_semaphore, #tpu.memory_space<semaphore_mem>>)
      %dma_wait3A_264 = arith.constant 0 : i32
      %dma_wait3A_265 = tpu.memref_slice %arg4[%add3A_58, %dma_wait3A_264] : memref<16384x1000xf32, #tpu.memory_space<hbm>> -> memref<32x1000xf32, #tpu.memory_space<hbm>>
      %dma_wait3A_266 = arith.constant 0 : i32
      %dma_wait3A_267 = tpu.memref_slice %arg4[%add3A_58, %dma_wait3A_266] : memref<16384x1000xf32, #tpu.memory_space<hbm>> -> memref<32x1000xf32, #tpu.memory_space<hbm>>
      tpu.wait_dma2 semaphore(%run_scoped3A : memref<!tpu.dma_semaphore, #tpu.memory_space<semaphore_mem>>) src(%arg6 : memref<32x1000xf32, #tpu.memory_space<vmem>>) dst(%dma_wait3A_267 : memref<32x1000xf32, #tpu.memory_space<hbm>>)
      tpu.yield
    }) : () -> ()
    %dma_start3A_59 = arith.constant 4 : i32
    %dma_start3A_60 = arith.constant 0 : i32
    %dma_start3A_61 = tpu.memref_slice %arg5[%dma_start3A_59, %dma_start3A_60] : memref<16x32xi32, #tpu.memory_space<vmem>> -> memref<1x32xi32, #tpu.memory_space<vmem>>
    %dma_start3A_62 = tpu.memref_squeeze %dma_start3A_61 : memref<1x32xi32, #tpu.memory_space<vmem>> -> memref<32xi32, #tpu.memory_space<vmem>>
    %dma_start3A_63 = arith.constant 0 : i32
    %dma_start3A_64 = arith.constant 0 : i32
    %dma_start3A_65 = tpu.memref_slice %arg8[%dma_start3A_63, %dma_start3A_64] : memref<1000x1000xf32, #tpu.memory_space<vmem_shared>> -> memref<1000x1000xf32, #tpu.memory_space<vmem_shared>>
    tpu.enqueue_indirect_dma source(%dma_start3A_65 : memref<1000x1000xf32, #tpu.memory_space<vmem_shared>>) target(%arg6 : memref<32x1000xf32, #tpu.memory_space<vmem>>) offsets(%dma_start3A_62 : memref<32xi32, #tpu.memory_space<vmem>>) semaphore(%arg9 : memref<!tpu.dma_semaphore, #tpu.memory_space<semaphore_mem>>)
    %dma_wait3A_66 = arith.constant 3 : i32
    %dma_wait3A_67 = arith.constant 0 : i32
    %dma_wait3A_68 = tpu.memref_slice %arg5[%dma_wait3A_66, %dma_wait3A_67] : memref<16x32xi32, #tpu.memory_space<vmem>> -> memref<1x32xi32, #tpu.memory_space<vmem>>
    %dma_wait3A_69 = tpu.memref_squeeze %dma_wait3A_68 : memref<1x32xi32, #tpu.memory_space<vmem>> -> memref<32xi32, #tpu.memory_space<vmem>>
    %dma_wait3A_70 = arith.constant 0 : i32
    %dma_wait3A_71 = arith.constant 0 : i32
    %dma_wait3A_72 = tpu.memref_slice %arg8[%dma_wait3A_70, %dma_wait3A_71] : memref<1000x1000xf32, #tpu.memory_space<vmem_shared>> -> memref<1000x1000xf32, #tpu.memory_space<vmem_shared>>
    tpu.wait_indirect_dma semaphore(%arg10 : memref<!tpu.dma_semaphore, #tpu.memory_space<semaphore_mem>>) src(%dma_wait3A_72 : memref<1000x1000xf32, #tpu.memory_space<vmem_shared>>) dst(%arg7 : memref<32x1000xf32, #tpu.memory_space<vmem>>)
    %add3A_73 = arith.constant 96 : i32
    %add3A_74 = arith.addi %mul3A_5, %add3A_73 : i32
    "tpu.region"() ({
      %run_scoped3A = tpu.sem_alloc : memref<!tpu.dma_semaphore, #tpu.memory_space<semaphore_mem>>
      %dma_start3A_260 = arith.constant 0 : i32
      %dma_start3A_261 = tpu.memref_slice %arg4[%add3A_74, %dma_start3A_260] : memref<16384x1000xf32, #tpu.memory_space<hbm>> -> memref<32x1000xf32, #tpu.memory_space<hbm>>
      %dma_start3A_262 = arith.constant 0 : i32
      %dma_start3A_263 = tpu.memref_slice %arg4[%add3A_74, %dma_start3A_262] : memref<16384x1000xf32, #tpu.memory_space<hbm>> -> memref<32x1000xf32, #tpu.memory_space<hbm>>
      tpu.enqueue_dma source(%arg7 : memref<32x1000xf32, #tpu.memory_space<vmem>>) target(%dma_start3A_263 : memref<32x1000xf32, #tpu.memory_space<hbm>>) target_semaphore(%run_scoped3A : memref<!tpu.dma_semaphore, #tpu.memory_space<semaphore_mem>>)
      %dma_wait3A_264 = arith.constant 0 : i32
      %dma_wait3A_265 = tpu.memref_slice %arg4[%add3A_74, %dma_wait3A_264] : memref<16384x1000xf32, #tpu.memory_space<hbm>> -> memref<32x1000xf32, #tpu.memory_space<hbm>>
      %dma_wait3A_266 = arith.constant 0 : i32
      %dma_wait3A_267 = tpu.memref_slice %arg4[%add3A_74, %dma_wait3A_266] : memref<16384x1000xf32, #tpu.memory_space<hbm>> -> memref<32x1000xf32, #tpu.memory_space<hbm>>
      tpu.wait_dma2 semaphore(%run_scoped3A : memref<!tpu.dma_semaphore, #tpu.memory_space<semaphore_mem>>) src(%arg7 : memref<32x1000xf32, #tpu.memory_space<vmem>>) dst(%dma_wait3A_267 : memref<32x1000xf32, #tpu.memory_space<hbm>>)
      tpu.yield
    }) : () -> ()
    %dma_start3A_75 = arith.constant 5 : i32
    %dma_start3A_76 = arith.constant 0 : i32
    %dma_start3A_77 = tpu.memref_slice %arg5[%dma_start3A_75, %dma_start3A_76] : memref<16x32xi32, #tpu.memory_space<vmem>> -> memref<1x32xi32, #tpu.memory_space<vmem>>
    %dma_start3A_78 = tpu.memref_squeeze %dma_start3A_77 : memref<1x32xi32, #tpu.memory_space<vmem>> -> memref<32xi32, #tpu.memory_space<vmem>>
    %dma_start3A_79 = arith.constant 0 : i32
    %dma_start3A_80 = arith.constant 0 : i32
    %dma_start3A_81 = tpu.memref_slice %arg8[%dma_start3A_79, %dma_start3A_80] : memref<1000x1000xf32, #tpu.memory_space<vmem_shared>> -> memref<1000x1000xf32, #tpu.memory_space<vmem_shared>>
    tpu.enqueue_indirect_dma source(%dma_start3A_81 : memref<1000x1000xf32, #tpu.memory_space<vmem_shared>>) target(%arg7 : memref<32x1000xf32, #tpu.memory_space<vmem>>) offsets(%dma_start3A_78 : memref<32xi32, #tpu.memory_space<vmem>>) semaphore(%arg10 : memref<!tpu.dma_semaphore, #tpu.memory_space<semaphore_mem>>)
    %dma_wait3A_82 = arith.constant 4 : i32
    %dma_wait3A_83 = arith.constant 0 : i32
    %dma_wait3A_84 = tpu.memref_slice %arg5[%dma_wait3A_82, %dma_wait3A_83] : memref<16x32xi32, #tpu.memory_space<vmem>> -> memref<1x32xi32, #tpu.memory_space<vmem>>
    %dma_wait3A_85 = tpu.memref_squeeze %dma_wait3A_84 : memref<1x32xi32, #tpu.memory_space<vmem>> -> memref<32xi32, #tpu.memory_space<vmem>>
    %dma_wait3A_86 = arith.constant 0 : i32
    %dma_wait3A_87 = arith.constant 0 : i32
    %dma_wait3A_88 = tpu.memref_slice %arg8[%dma_wait3A_86, %dma_wait3A_87] : memref<1000x1000xf32, #tpu.memory_space<vmem_shared>> -> memref<1000x1000xf32, #tpu.memory_space<vmem_shared>>
    tpu.wait_indirect_dma semaphore(%arg9 : memref<!tpu.dma_semaphore, #tpu.memory_space<semaphore_mem>>) src(%dma_wait3A_88 : memref<1000x1000xf32, #tpu.memory_space<vmem_shared>>) dst(%arg6 : memref<32x1000xf32, #tpu.memory_space<vmem>>)
    %add3A_89 = arith.constant 128 : i32
    %add3A_90 = arith.addi %mul3A_5, %add3A_89 : i32
    "tpu.region"() ({
      %run_scoped3A = tpu.sem_alloc : memref<!tpu.dma_semaphore, #tpu.memory_space<semaphore_mem>>
      %dma_start3A_260 = arith.constant 0 : i32
      %dma_start3A_261 = tpu.memref_slice %arg4[%add3A_90, %dma_start3A_260] : memref<16384x1000xf32, #tpu.memory_space<hbm>> -> memref<32x1000xf32, #tpu.memory_space<hbm>>
      %dma_start3A_262 = arith.constant 0 : i32
      %dma_start3A_263 = tpu.memref_slice %arg4[%add3A_90, %dma_start3A_262] : memref<16384x1000xf32, #tpu.memory_space<hbm>> -> memref<32x1000xf32, #tpu.memory_space<hbm>>
      tpu.enqueue_dma source(%arg6 : memref<32x1000xf32, #tpu.memory_space<vmem>>) target(%dma_start3A_263 : memref<32x1000xf32, #tpu.memory_space<hbm>>) target_semaphore(%run_scoped3A : memref<!tpu.dma_semaphore, #tpu.memory_space<semaphore_mem>>)
      %dma_wait3A_264 = arith.constant 0 : i32
      %dma_wait3A_265 = tpu.memref_slice %arg4[%add3A_90, %dma_wait3A_264] : memref<16384x1000xf32, #tpu.memory_space<hbm>> -> memref<32x1000xf32, #tpu.memory_space<hbm>>
      %dma_wait3A_266 = arith.constant 0 : i32
      %dma_wait3A_267 = tpu.memref_slice %arg4[%add3A_90, %dma_wait3A_266] : memref<16384x1000xf32, #tpu.memory_space<hbm>> -> memref<32x1000xf32, #tpu.memory_space<hbm>>
      tpu.wait_dma2 semaphore(%run_scoped3A : memref<!tpu.dma_semaphore, #tpu.memory_space<semaphore_mem>>) src(%arg6 : memref<32x1000xf32, #tpu.memory_space<vmem>>) dst(%dma_wait3A_267 : memref<32x1000xf32, #tpu.memory_space<hbm>>)
      tpu.yield
    }) : () -> ()
    %dma_start3A_91 = arith.constant 6 : i32
    %dma_start3A_92 = arith.constant 0 : i32
    %dma_start3A_93 = tpu.memref_slice %arg5[%dma_start3A_91, %dma_start3A_92] : memref<16x32xi32, #tpu.memory_space<vmem>> -> memref<1x32xi32, #tpu.memory_space<vmem>>
    %dma_start3A_94 = tpu.memref_squeeze %dma_start3A_93 : memref<1x32xi32, #tpu.memory_space<vmem>> -> memref<32xi32, #tpu.memory_space<vmem>>
    %dma_start3A_95 = arith.constant 0 : i32
    %dma_start3A_96 = arith.constant 0 : i32
    %dma_start3A_97 = tpu.memref_slice %arg8[%dma_start3A_95, %dma_start3A_96] : memref<1000x1000xf32, #tpu.memory_space<vmem_shared>> -> memref<1000x1000xf32, #tpu.memory_space<vmem_shared>>
    tpu.enqueue_indirect_dma source(%dma_start3A_97 : memref<1000x1000xf32, #tpu.memory_space<vmem_shared>>) target(%arg6 : memref<32x1000xf32, #tpu.memory_space<vmem>>) offsets(%dma_start3A_94 : memref<32xi32, #tpu.memory_space<vmem>>) semaphore(%arg9 : memref<!tpu.dma_semaphore, #tpu.memory_space<semaphore_mem>>)
    %dma_wait3A_98 = arith.constant 5 : i32
    %dma_wait3A_99 = arith.constant 0 : i32
    %dma_wait3A_100 = tpu.memref_slice %arg5[%dma_wait3A_98, %dma_wait3A_99] : memref<16x32xi32, #tpu.memory_space<vmem>> -> memref<1x32xi32, #tpu.memory_space<vmem>>
    %dma_wait3A_101 = tpu.memref_squeeze %dma_wait3A_100 : memref<1x32xi32, #tpu.memory_space<vmem>> -> memref<32xi32, #tpu.memory_space<vmem>>
    %dma_wait3A_102 = arith.constant 0 : i32
    %dma_wait3A_103 = arith.constant 0 : i32
    %dma_wait3A_104 = tpu.memref_slice %arg8[%dma_wait3A_102, %dma_wait3A_103] : memref<1000x1000xf32, #tpu.memory_space<vmem_shared>> -> memref<1000x1000xf32, #tpu.memory_space<vmem_shared>>
    tpu.wait_indirect_dma semaphore(%arg10 : memref<!tpu.dma_semaphore, #tpu.memory_space<semaphore_mem>>) src(%dma_wait3A_104 : memref<1000x1000xf32, #tpu.memory_space<vmem_shared>>) dst(%arg7 : memref<32x1000xf32, #tpu.memory_space<vmem>>)
    %add3A_105 = arith.constant 160 : i32
    %add3A_106 = arith.addi %mul3A_5, %add3A_105 : i32
    "tpu.region"() ({
      %run_scoped3A = tpu.sem_alloc : memref<!tpu.dma_semaphore, #tpu.memory_space<semaphore_mem>>
      %dma_start3A_260 = arith.constant 0 : i32
      %dma_start3A_261 = tpu.memref_slice %arg4[%add3A_106, %dma_start3A_260] : memref<16384x1000xf32, #tpu.memory_space<hbm>> -> memref<32x1000xf32, #tpu.memory_space<hbm>>
      %dma_start3A_262 = arith.constant 0 : i32
      %dma_start3A_263 = tpu.memref_slice %arg4[%add3A_106, %dma_start3A_262] : memref<16384x1000xf32, #tpu.memory_space<hbm>> -> memref<32x1000xf32, #tpu.memory_space<hbm>>
      tpu.enqueue_dma source(%arg7 : memref<32x1000xf32, #tpu.memory_space<vmem>>) target(%dma_start3A_263 : memref<32x1000xf32, #tpu.memory_space<hbm>>) target_semaphore(%run_scoped3A : memref<!tpu.dma_semaphore, #tpu.memory_space<semaphore_mem>>)
      %dma_wait3A_264 = arith.constant 0 : i32
      %dma_wait3A_265 = tpu.memref_slice %arg4[%add3A_106, %dma_wait3A_264] : memref<16384x1000xf32, #tpu.memory_space<hbm>> -> memref<32x1000xf32, #tpu.memory_space<hbm>>
      %dma_wait3A_266 = arith.constant 0 : i32
      %dma_wait3A_267 = tpu.memref_slice %arg4[%add3A_106, %dma_wait3A_266] : memref<16384x1000xf32, #tpu.memory_space<hbm>> -> memref<32x1000xf32, #tpu.memory_space<hbm>>
      tpu.wait_dma2 semaphore(%run_scoped3A : memref<!tpu.dma_semaphore, #tpu.memory_space<semaphore_mem>>) src(%arg7 : memref<32x1000xf32, #tpu.memory_space<vmem>>) dst(%dma_wait3A_267 : memref<32x1000xf32, #tpu.memory_space<hbm>>)
      tpu.yield
    }) : () -> ()
    %dma_start3A_107 = arith.constant 7 : i32
    %dma_start3A_108 = arith.constant 0 : i32
    %dma_start3A_109 = tpu.memref_slice %arg5[%dma_start3A_107, %dma_start3A_108] : memref<16x32xi32, #tpu.memory_space<vmem>> -> memref<1x32xi32, #tpu.memory_space<vmem>>
    %dma_start3A_110 = tpu.memref_squeeze %dma_start3A_109 : memref<1x32xi32, #tpu.memory_space<vmem>> -> memref<32xi32, #tpu.memory_space<vmem>>
    %dma_start3A_111 = arith.constant 0 : i32
    %dma_start3A_112 = arith.constant 0 : i32
    %dma_start3A_113 = tpu.memref_slice %arg8[%dma_start3A_111, %dma_start3A_112] : memref<1000x1000xf32, #tpu.memory_space<vmem_shared>> -> memref<1000x1000xf32, #tpu.memory_space<vmem_shared>>
    tpu.enqueue_indirect_dma source(%dma_start3A_113 : memref<1000x1000xf32, #tpu.memory_space<vmem_shared>>) target(%arg7 : memref<32x1000xf32, #tpu.memory_space<vmem>>) offsets(%dma_start3A_110 : memref<32xi32, #tpu.memory_space<vmem>>) semaphore(%arg10 : memref<!tpu.dma_semaphore, #tpu.memory_space<semaphore_mem>>)
    %dma_wait3A_114 = arith.constant 6 : i32
    %dma_wait3A_115 = arith.constant 0 : i32
    %dma_wait3A_116 = tpu.memref_slice %arg5[%dma_wait3A_114, %dma_wait3A_115] : memref<16x32xi32, #tpu.memory_space<vmem>> -> memref<1x32xi32, #tpu.memory_space<vmem>>
    %dma_wait3A_117 = tpu.memref_squeeze %dma_wait3A_116 : memref<1x32xi32, #tpu.memory_space<vmem>> -> memref<32xi32, #tpu.memory_space<vmem>>
    %dma_wait3A_118 = arith.constant 0 : i32
    %dma_wait3A_119 = arith.constant 0 : i32
    %dma_wait3A_120 = tpu.memref_slice %arg8[%dma_wait3A_118, %dma_wait3A_119] : memref<1000x1000xf32, #tpu.memory_space<vmem_shared>> -> memref<1000x1000xf32, #tpu.memory_space<vmem_shared>>
    tpu.wait_indirect_dma semaphore(%arg9 : memref<!tpu.dma_semaphore, #tpu.memory_space<semaphore_mem>>) src(%dma_wait3A_120 : memref<1000x1000xf32, #tpu.memory_space<vmem_shared>>) dst(%arg6 : memref<32x1000xf32, #tpu.memory_space<vmem>>)
    %add3A_121 = arith.constant 192 : i32
    %add3A_122 = arith.addi %mul3A_5, %add3A_121 : i32
    "tpu.region"() ({
      %run_scoped3A = tpu.sem_alloc : memref<!tpu.dma_semaphore, #tpu.memory_space<semaphore_mem>>
      %dma_start3A_260 = arith.constant 0 : i32
      %dma_start3A_261 = tpu.memref_slice %arg4[%add3A_122, %dma_start3A_260] : memref<16384x1000xf32, #tpu.memory_space<hbm>> -> memref<32x1000xf32, #tpu.memory_space<hbm>>
      %dma_start3A_262 = arith.constant 0 : i32
      %dma_start3A_263 = tpu.memref_slice %arg4[%add3A_122, %dma_start3A_262] : memref<16384x1000xf32, #tpu.memory_space<hbm>> -> memref<32x1000xf32, #tpu.memory_space<hbm>>
      tpu.enqueue_dma source(%arg6 : memref<32x1000xf32, #tpu.memory_space<vmem>>) target(%dma_start3A_263 : memref<32x1000xf32, #tpu.memory_space<hbm>>) target_semaphore(%run_scoped3A : memref<!tpu.dma_semaphore, #tpu.memory_space<semaphore_mem>>)
      %dma_wait3A_264 = arith.constant 0 : i32
      %dma_wait3A_265 = tpu.memref_slice %arg4[%add3A_122, %dma_wait3A_264] : memref<16384x1000xf32, #tpu.memory_space<hbm>> -> memref<32x1000xf32, #tpu.memory_space<hbm>>
      %dma_wait3A_266 = arith.constant 0 : i32
      %dma_wait3A_267 = tpu.memref_slice %arg4[%add3A_122, %dma_wait3A_266] : memref<16384x1000xf32, #tpu.memory_space<hbm>> -> memref<32x1000xf32, #tpu.memory_space<hbm>>
      tpu.wait_dma2 semaphore(%run_scoped3A : memref<!tpu.dma_semaphore, #tpu.memory_space<semaphore_mem>>) src(%arg6 : memref<32x1000xf32, #tpu.memory_space<vmem>>) dst(%dma_wait3A_267 : memref<32x1000xf32, #tpu.memory_space<hbm>>)
      tpu.yield
    }) : () -> ()
    %dma_start3A_123 = arith.constant 8 : i32
    %dma_start3A_124 = arith.constant 0 : i32
    %dma_start3A_125 = tpu.memref_slice %arg5[%dma_start3A_123, %dma_start3A_124] : memref<16x32xi32, #tpu.memory_space<vmem>> -> memref<1x32xi32, #tpu.memory_space<vmem>>
    %dma_start3A_126 = tpu.memref_squeeze %dma_start3A_125 : memref<1x32xi32, #tpu.memory_space<vmem>> -> memref<32xi32, #tpu.memory_space<vmem>>
    %dma_start3A_127 = arith.constant 0 : i32
    %dma_start3A_128 = arith.constant 0 : i32
    %dma_start3A_129 = tpu.memref_slice %arg8[%dma_start3A_127, %dma_start3A_128] : memref<1000x1000xf32, #tpu.memory_space<vmem_shared>> -> memref<1000x1000xf32, #tpu.memory_space<vmem_shared>>
    tpu.enqueue_indirect_dma source(%dma_start3A_129 : memref<1000x1000xf32, #tpu.memory_space<vmem_shared>>) target(%arg6 : memref<32x1000xf32, #tpu.memory_space<vmem>>) offsets(%dma_start3A_126 : memref<32xi32, #tpu.memory_space<vmem>>) semaphore(%arg9 : memref<!tpu.dma_semaphore, #tpu.memory_space<semaphore_mem>>)
    %dma_wait3A_130 = arith.constant 7 : i32
    %dma_wait3A_131 = arith.constant 0 : i32
    %dma_wait3A_132 = tpu.memref_slice %arg5[%dma_wait3A_130, %dma_wait3A_131] : memref<16x32xi32, #tpu.memory_space<vmem>> -> memref<1x32xi32, #tpu.memory_space<vmem>>
    %dma_wait3A_133 = tpu.memref_squeeze %dma_wait3A_132 : memref<1x32xi32, #tpu.memory_space<vmem>> -> memref<32xi32, #tpu.memory_space<vmem>>
    %dma_wait3A_134 = arith.constant 0 : i32
    %dma_wait3A_135 = arith.constant 0 : i32
    %dma_wait3A_136 = tpu.memref_slice %arg8[%dma_wait3A_134, %dma_wait3A_135] : memref<1000x1000xf32, #tpu.memory_space<vmem_shared>> -> memref<1000x1000xf32, #tpu.memory_space<vmem_shared>>
    tpu.wait_indirect_dma semaphore(%arg10 : memref<!tpu.dma_semaphore, #tpu.memory_space<semaphore_mem>>) src(%dma_wait3A_136 : memref<1000x1000xf32, #tpu.memory_space<vmem_shared>>) dst(%arg7 : memref<32x1000xf32, #tpu.memory_space<vmem>>)
    %add3A_137 = arith.constant 224 : i32
    %add3A_138 = arith.addi %mul3A_5, %add3A_137 : i32
    "tpu.region"() ({
      %run_scoped3A = tpu.sem_alloc : memref<!tpu.dma_semaphore, #tpu.memory_space<semaphore_mem>>
      %dma_start3A_260 = arith.constant 0 : i32
      %dma_start3A_261 = tpu.memref_slice %arg4[%add3A_138, %dma_start3A_260] : memref<16384x1000xf32, #tpu.memory_space<hbm>> -> memref<32x1000xf32, #tpu.memory_space<hbm>>
      %dma_start3A_262 = arith.constant 0 : i32
      %dma_start3A_263 = tpu.memref_slice %arg4[%add3A_138, %dma_start3A_262] : memref<16384x1000xf32, #tpu.memory_space<hbm>> -> memref<32x1000xf32, #tpu.memory_space<hbm>>
      tpu.enqueue_dma source(%arg7 : memref<32x1000xf32, #tpu.memory_space<vmem>>) target(%dma_start3A_263 : memref<32x1000xf32, #tpu.memory_space<hbm>>) target_semaphore(%run_scoped3A : memref<!tpu.dma_semaphore, #tpu.memory_space<semaphore_mem>>)
      %dma_wait3A_264 = arith.constant 0 : i32
      %dma_wait3A_265 = tpu.memref_slice %arg4[%add3A_138, %dma_wait3A_264] : memref<16384x1000xf32, #tpu.memory_space<hbm>> -> memref<32x1000xf32, #tpu.memory_space<hbm>>
      %dma_wait3A_266 = arith.constant 0 : i32
      %dma_wait3A_267 = tpu.memref_slice %arg4[%add3A_138, %dma_wait3A_266] : memref<16384x1000xf32, #tpu.memory_space<hbm>> -> memref<32x1000xf32, #tpu.memory_space<hbm>>
      tpu.wait_dma2 semaphore(%run_scoped3A : memref<!tpu.dma_semaphore, #tpu.memory_space<semaphore_mem>>) src(%arg7 : memref<32x1000xf32, #tpu.memory_space<vmem>>) dst(%dma_wait3A_267 : memref<32x1000xf32, #tpu.memory_space<hbm>>)
      tpu.yield
    }) : () -> ()
    %dma_start3A_139 = arith.constant 9 : i32
    %dma_start3A_140 = arith.constant 0 : i32
    %dma_start3A_141 = tpu.memref_slice %arg5[%dma_start3A_139, %dma_start3A_140] : memref<16x32xi32, #tpu.memory_space<vmem>> -> memref<1x32xi32, #tpu.memory_space<vmem>>
    %dma_start3A_142 = tpu.memref_squeeze %dma_start3A_141 : memref<1x32xi32, #tpu.memory_space<vmem>> -> memref<32xi32, #tpu.memory_space<vmem>>
    %dma_start3A_143 = arith.constant 0 : i32
    %dma_start3A_144 = arith.constant 0 : i32
    %dma_start3A_145 = tpu.memref_slice %arg8[%dma_start3A_143, %dma_start3A_144] : memref<1000x1000xf32, #tpu.memory_space<vmem_shared>> -> memref<1000x1000xf32, #tpu.memory_space<vmem_shared>>
    tpu.enqueue_indirect_dma source(%dma_start3A_145 : memref<1000x1000xf32, #tpu.memory_space<vmem_shared>>) target(%arg7 : memref<32x1000xf32, #tpu.memory_space<vmem>>) offsets(%dma_start3A_142 : memref<32xi32, #tpu.memory_space<vmem>>) semaphore(%arg10 : memref<!tpu.dma_semaphore, #tpu.memory_space<semaphore_mem>>)
    %dma_wait3A_146 = arith.constant 8 : i32
    %dma_wait3A_147 = arith.constant 0 : i32
    %dma_wait3A_148 = tpu.memref_slice %arg5[%dma_wait3A_146, %dma_wait3A_147] : memref<16x32xi32, #tpu.memory_space<vmem>> -> memref<1x32xi32, #tpu.memory_space<vmem>>
    %dma_wait3A_149 = tpu.memref_squeeze %dma_wait3A_148 : memref<1x32xi32, #tpu.memory_space<vmem>> -> memref<32xi32, #tpu.memory_space<vmem>>
    %dma_wait3A_150 = arith.constant 0 : i32
    %dma_wait3A_151 = arith.constant 0 : i32
    %dma_wait3A_152 = tpu.memref_slice %arg8[%dma_wait3A_150, %dma_wait3A_151] : memref<1000x1000xf32, #tpu.memory_space<vmem_shared>> -> memref<1000x1000xf32, #tpu.memory_space<vmem_shared>>
    tpu.wait_indirect_dma semaphore(%arg9 : memref<!tpu.dma_semaphore, #tpu.memory_space<semaphore_mem>>) src(%dma_wait3A_152 : memref<1000x1000xf32, #tpu.memory_space<vmem_shared>>) dst(%arg6 : memref<32x1000xf32, #tpu.memory_space<vmem>>)
    %add3A_153 = arith.constant 256 : i32
    %add3A_154 = arith.addi %mul3A_5, %add3A_153 : i32
    "tpu.region"() ({
      %run_scoped3A = tpu.sem_alloc : memref<!tpu.dma_semaphore, #tpu.memory_space<semaphore_mem>>
      %dma_start3A_260 = arith.constant 0 : i32
      %dma_start3A_261 = tpu.memref_slice %arg4[%add3A_154, %dma_start3A_260] : memref<16384x1000xf32, #tpu.memory_space<hbm>> -> memref<32x1000xf32, #tpu.memory_space<hbm>>
      %dma_start3A_262 = arith.constant 0 : i32
      %dma_start3A_263 = tpu.memref_slice %arg4[%add3A_154, %dma_start3A_262] : memref<16384x1000xf32, #tpu.memory_space<hbm>> -> memref<32x1000xf32, #tpu.memory_space<hbm>>
      tpu.enqueue_dma source(%arg6 : memref<32x1000xf32, #tpu.memory_space<vmem>>) target(%dma_start3A_263 : memref<32x1000xf32, #tpu.memory_space<hbm>>) target_semaphore(%run_scoped3A : memref<!tpu.dma_semaphore, #tpu.memory_space<semaphore_mem>>)
      %dma_wait3A_264 = arith.constant 0 : i32
      %dma_wait3A_265 = tpu.memref_slice %arg4[%add3A_154, %dma_wait3A_264] : memref<16384x1000xf32, #tpu.memory_space<hbm>> -> memref<32x1000xf32, #tpu.memory_space<hbm>>
      %dma_wait3A_266 = arith.constant 0 : i32
      %dma_wait3A_267 = tpu.memref_slice %arg4[%add3A_154, %dma_wait3A_266] : memref<16384x1000xf32, #tpu.memory_space<hbm>> -> memref<32x1000xf32, #tpu.memory_space<hbm>>
      tpu.wait_dma2 semaphore(%run_scoped3A : memref<!tpu.dma_semaphore, #tpu.memory_space<semaphore_mem>>) src(%arg6 : memref<32x1000xf32, #tpu.memory_space<vmem>>) dst(%dma_wait3A_267 : memref<32x1000xf32, #tpu.memory_space<hbm>>)
      tpu.yield
    }) : () -> ()
    %dma_start3A_155 = arith.constant 10 : i32
    %dma_start3A_156 = arith.constant 0 : i32
    %dma_start3A_157 = tpu.memref_slice %arg5[%dma_start3A_155, %dma_start3A_156] : memref<16x32xi32, #tpu.memory_space<vmem>> -> memref<1x32xi32, #tpu.memory_space<vmem>>
    %dma_start3A_158 = tpu.memref_squeeze %dma_start3A_157 : memref<1x32xi32, #tpu.memory_space<vmem>> -> memref<32xi32, #tpu.memory_space<vmem>>
    %dma_start3A_159 = arith.constant 0 : i32
    %dma_start3A_160 = arith.constant 0 : i32
    %dma_start3A_161 = tpu.memref_slice %arg8[%dma_start3A_159, %dma_start3A_160] : memref<1000x1000xf32, #tpu.memory_space<vmem_shared>> -> memref<1000x1000xf32, #tpu.memory_space<vmem_shared>>
    tpu.enqueue_indirect_dma source(%dma_start3A_161 : memref<1000x1000xf32, #tpu.memory_space<vmem_shared>>) target(%arg6 : memref<32x1000xf32, #tpu.memory_space<vmem>>) offsets(%dma_start3A_158 : memref<32xi32, #tpu.memory_space<vmem>>) semaphore(%arg9 : memref<!tpu.dma_semaphore, #tpu.memory_space<semaphore_mem>>)
    %dma_wait3A_162 = arith.constant 9 : i32
    %dma_wait3A_163 = arith.constant 0 : i32
    %dma_wait3A_164 = tpu.memref_slice %arg5[%dma_wait3A_162, %dma_wait3A_163] : memref<16x32xi32, #tpu.memory_space<vmem>> -> memref<1x32xi32, #tpu.memory_space<vmem>>
    %dma_wait3A_165 = tpu.memref_squeeze %dma_wait3A_164 : memref<1x32xi32, #tpu.memory_space<vmem>> -> memref<32xi32, #tpu.memory_space<vmem>>
    %dma_wait3A_166 = arith.constant 0 : i32
    %dma_wait3A_167 = arith.constant 0 : i32
    %dma_wait3A_168 = tpu.memref_slice %arg8[%dma_wait3A_166, %dma_wait3A_167] : memref<1000x1000xf32, #tpu.memory_space<vmem_shared>> -> memref<1000x1000xf32, #tpu.memory_space<vmem_shared>>
    tpu.wait_indirect_dma semaphore(%arg10 : memref<!tpu.dma_semaphore, #tpu.memory_space<semaphore_mem>>) src(%dma_wait3A_168 : memref<1000x1000xf32, #tpu.memory_space<vmem_shared>>) dst(%arg7 : memref<32x1000xf32, #tpu.memory_space<vmem>>)
    %add3A_169 = arith.constant 288 : i32
    %add3A_170 = arith.addi %mul3A_5, %add3A_169 : i32
    "tpu.region"() ({
      %run_scoped3A = tpu.sem_alloc : memref<!tpu.dma_semaphore, #tpu.memory_space<semaphore_mem>>
      %dma_start3A_260 = arith.constant 0 : i32
      %dma_start3A_261 = tpu.memref_slice %arg4[%add3A_170, %dma_start3A_260] : memref<16384x1000xf32, #tpu.memory_space<hbm>> -> memref<32x1000xf32, #tpu.memory_space<hbm>>
      %dma_start3A_262 = arith.constant 0 : i32
      %dma_start3A_263 = tpu.memref_slice %arg4[%add3A_170, %dma_start3A_262] : memref<16384x1000xf32, #tpu.memory_space<hbm>> -> memref<32x1000xf32, #tpu.memory_space<hbm>>
      tpu.enqueue_dma source(%arg7 : memref<32x1000xf32, #tpu.memory_space<vmem>>) target(%dma_start3A_263 : memref<32x1000xf32, #tpu.memory_space<hbm>>) target_semaphore(%run_scoped3A : memref<!tpu.dma_semaphore, #tpu.memory_space<semaphore_mem>>)
      %dma_wait3A_264 = arith.constant 0 : i32
      %dma_wait3A_265 = tpu.memref_slice %arg4[%add3A_170, %dma_wait3A_264] : memref<16384x1000xf32, #tpu.memory_space<hbm>> -> memref<32x1000xf32, #tpu.memory_space<hbm>>
      %dma_wait3A_266 = arith.constant 0 : i32
      %dma_wait3A_267 = tpu.memref_slice %arg4[%add3A_170, %dma_wait3A_266] : memref<16384x1000xf32, #tpu.memory_space<hbm>> -> memref<32x1000xf32, #tpu.memory_space<hbm>>
      tpu.wait_dma2 semaphore(%run_scoped3A : memref<!tpu.dma_semaphore, #tpu.memory_space<semaphore_mem>>) src(%arg7 : memref<32x1000xf32, #tpu.memory_space<vmem>>) dst(%dma_wait3A_267 : memref<32x1000xf32, #tpu.memory_space<hbm>>)
      tpu.yield
    }) : () -> ()
    %dma_start3A_171 = arith.constant 11 : i32
    %dma_start3A_172 = arith.constant 0 : i32
    %dma_start3A_173 = tpu.memref_slice %arg5[%dma_start3A_171, %dma_start3A_172] : memref<16x32xi32, #tpu.memory_space<vmem>> -> memref<1x32xi32, #tpu.memory_space<vmem>>
    %dma_start3A_174 = tpu.memref_squeeze %dma_start3A_173 : memref<1x32xi32, #tpu.memory_space<vmem>> -> memref<32xi32, #tpu.memory_space<vmem>>
    %dma_start3A_175 = arith.constant 0 : i32
    %dma_start3A_176 = arith.constant 0 : i32
    %dma_start3A_177 = tpu.memref_slice %arg8[%dma_start3A_175, %dma_start3A_176] : memref<1000x1000xf32, #tpu.memory_space<vmem_shared>> -> memref<1000x1000xf32, #tpu.memory_space<vmem_shared>>
    tpu.enqueue_indirect_dma source(%dma_start3A_177 : memref<1000x1000xf32, #tpu.memory_space<vmem_shared>>) target(%arg7 : memref<32x1000xf32, #tpu.memory_space<vmem>>) offsets(%dma_start3A_174 : memref<32xi32, #tpu.memory_space<vmem>>) semaphore(%arg10 : memref<!tpu.dma_semaphore, #tpu.memory_space<semaphore_mem>>)
    %dma_wait3A_178 = arith.constant 10 : i32
    %dma_wait3A_179 = arith.constant 0 : i32
    %dma_wait3A_180 = tpu.memref_slice %arg5[%dma_wait3A_178, %dma_wait3A_179] : memref<16x32xi32, #tpu.memory_space<vmem>> -> memref<1x32xi32, #tpu.memory_space<vmem>>
    %dma_wait3A_181 = tpu.memref_squeeze %dma_wait3A_180 : memref<1x32xi32, #tpu.memory_space<vmem>> -> memref<32xi32, #tpu.memory_space<vmem>>
    %dma_wait3A_182 = arith.constant 0 : i32
    %dma_wait3A_183 = arith.constant 0 : i32
    %dma_wait3A_184 = tpu.memref_slice %arg8[%dma_wait3A_182, %dma_wait3A_183] : memref<1000x1000xf32, #tpu.memory_space<vmem_shared>> -> memref<1000x1000xf32, #tpu.memory_space<vmem_shared>>
    tpu.wait_indirect_dma semaphore(%arg9 : memref<!tpu.dma_semaphore, #tpu.memory_space<semaphore_mem>>) src(%dma_wait3A_184 : memref<1000x1000xf32, #tpu.memory_space<vmem_shared>>) dst(%arg6 : memref<32x1000xf32, #tpu.memory_space<vmem>>)
    %add3A_185 = arith.constant 320 : i32
    %add3A_186 = arith.addi %mul3A_5, %add3A_185 : i32
    "tpu.region"() ({
      %run_scoped3A = tpu.sem_alloc : memref<!tpu.dma_semaphore, #tpu.memory_space<semaphore_mem>>
      %dma_start3A_260 = arith.constant 0 : i32
      %dma_start3A_261 = tpu.memref_slice %arg4[%add3A_186, %dma_start3A_260] : memref<16384x1000xf32, #tpu.memory_space<hbm>> -> memref<32x1000xf32, #tpu.memory_space<hbm>>
      %dma_start3A_262 = arith.constant 0 : i32
      %dma_start3A_263 = tpu.memref_slice %arg4[%add3A_186, %dma_start3A_262] : memref<16384x1000xf32, #tpu.memory_space<hbm>> -> memref<32x1000xf32, #tpu.memory_space<hbm>>
      tpu.enqueue_dma source(%arg6 : memref<32x1000xf32, #tpu.memory_space<vmem>>) target(%dma_start3A_263 : memref<32x1000xf32, #tpu.memory_space<hbm>>) target_semaphore(%run_scoped3A : memref<!tpu.dma_semaphore, #tpu.memory_space<semaphore_mem>>)
      %dma_wait3A_264 = arith.constant 0 : i32
      %dma_wait3A_265 = tpu.memref_slice %arg4[%add3A_186, %dma_wait3A_264] : memref<16384x1000xf32, #tpu.memory_space<hbm>> -> memref<32x1000xf32, #tpu.memory_space<hbm>>
      %dma_wait3A_266 = arith.constant 0 : i32
      %dma_wait3A_267 = tpu.memref_slice %arg4[%add3A_186, %dma_wait3A_266] : memref<16384x1000xf32, #tpu.memory_space<hbm>> -> memref<32x1000xf32, #tpu.memory_space<hbm>>
      tpu.wait_dma2 semaphore(%run_scoped3A : memref<!tpu.dma_semaphore, #tpu.memory_space<semaphore_mem>>) src(%arg6 : memref<32x1000xf32, #tpu.memory_space<vmem>>) dst(%dma_wait3A_267 : memref<32x1000xf32, #tpu.memory_space<hbm>>)
      tpu.yield
    }) : () -> ()
    %dma_start3A_187 = arith.constant 12 : i32
    %dma_start3A_188 = arith.constant 0 : i32
    %dma_start3A_189 = tpu.memref_slice %arg5[%dma_start3A_187, %dma_start3A_188] : memref<16x32xi32, #tpu.memory_space<vmem>> -> memref<1x32xi32, #tpu.memory_space<vmem>>
    %dma_start3A_190 = tpu.memref_squeeze %dma_start3A_189 : memref<1x32xi32, #tpu.memory_space<vmem>> -> memref<32xi32, #tpu.memory_space<vmem>>
    %dma_start3A_191 = arith.constant 0 : i32
    %dma_start3A_192 = arith.constant 0 : i32
    %dma_start3A_193 = tpu.memref_slice %arg8[%dma_start3A_191, %dma_start3A_192] : memref<1000x1000xf32, #tpu.memory_space<vmem_shared>> -> memref<1000x1000xf32, #tpu.memory_space<vmem_shared>>
    tpu.enqueue_indirect_dma source(%dma_start3A_193 : memref<1000x1000xf32, #tpu.memory_space<vmem_shared>>) target(%arg6 : memref<32x1000xf32, #tpu.memory_space<vmem>>) offsets(%dma_start3A_190 : memref<32xi32, #tpu.memory_space<vmem>>) semaphore(%arg9 : memref<!tpu.dma_semaphore, #tpu.memory_space<semaphore_mem>>)
    %dma_wait3A_194 = arith.constant 11 : i32
    %dma_wait3A_195 = arith.constant 0 : i32
    %dma_wait3A_196 = tpu.memref_slice %arg5[%dma_wait3A_194, %dma_wait3A_195] : memref<16x32xi32, #tpu.memory_space<vmem>> -> memref<1x32xi32, #tpu.memory_space<vmem>>
    %dma_wait3A_197 = tpu.memref_squeeze %dma_wait3A_196 : memref<1x32xi32, #tpu.memory_space<vmem>> -> memref<32xi32, #tpu.memory_space<vmem>>
    %dma_wait3A_198 = arith.constant 0 : i32
    %dma_wait3A_199 = arith.constant 0 : i32
    %dma_wait3A_200 = tpu.memref_slice %arg8[%dma_wait3A_198, %dma_wait3A_199] : memref<1000x1000xf32, #tpu.memory_space<vmem_shared>> -> memref<1000x1000xf32, #tpu.memory_space<vmem_shared>>
    tpu.wait_indirect_dma semaphore(%arg10 : memref<!tpu.dma_semaphore, #tpu.memory_space<semaphore_mem>>) src(%dma_wait3A_200 : memref<1000x1000xf32, #tpu.memory_space<vmem_shared>>) dst(%arg7 : memref<32x1000xf32, #tpu.memory_space<vmem>>)
    %add3A_201 = arith.constant 352 : i32
    %add3A_202 = arith.addi %mul3A_5, %add3A_201 : i32
    "tpu.region"() ({
      %run_scoped3A = tpu.sem_alloc : memref<!tpu.dma_semaphore, #tpu.memory_space<semaphore_mem>>
      %dma_start3A_260 = arith.constant 0 : i32
      %dma_start3A_261 = tpu.memref_slice %arg4[%add3A_202, %dma_start3A_260] : memref<16384x1000xf32, #tpu.memory_space<hbm>> -> memref<32x1000xf32, #tpu.memory_space<hbm>>
      %dma_start3A_262 = arith.constant 0 : i32
      %dma_start3A_263 = tpu.memref_slice %arg4[%add3A_202, %dma_start3A_262] : memref<16384x1000xf32, #tpu.memory_space<hbm>> -> memref<32x1000xf32, #tpu.memory_space<hbm>>
      tpu.enqueue_dma source(%arg7 : memref<32x1000xf32, #tpu.memory_space<vmem>>) target(%dma_start3A_263 : memref<32x1000xf32, #tpu.memory_space<hbm>>) target_semaphore(%run_scoped3A : memref<!tpu.dma_semaphore, #tpu.memory_space<semaphore_mem>>)
      %dma_wait3A_264 = arith.constant 0 : i32
      %dma_wait3A_265 = tpu.memref_slice %arg4[%add3A_202, %dma_wait3A_264] : memref<16384x1000xf32, #tpu.memory_space<hbm>> -> memref<32x1000xf32, #tpu.memory_space<hbm>>
      %dma_wait3A_266 = arith.constant 0 : i32
      %dma_wait3A_267 = tpu.memref_slice %arg4[%add3A_202, %dma_wait3A_266] : memref<16384x1000xf32, #tpu.memory_space<hbm>> -> memref<32x1000xf32, #tpu.memory_space<hbm>>
      tpu.wait_dma2 semaphore(%run_scoped3A : memref<!tpu.dma_semaphore, #tpu.memory_space<semaphore_mem>>) src(%arg7 : memref<32x1000xf32, #tpu.memory_space<vmem>>) dst(%dma_wait3A_267 : memref<32x1000xf32, #tpu.memory_space<hbm>>)
      tpu.yield
    }) : () -> ()
    %dma_start3A_203 = arith.constant 13 : i32
    %dma_start3A_204 = arith.constant 0 : i32
    %dma_start3A_205 = tpu.memref_slice %arg5[%dma_start3A_203, %dma_start3A_204] : memref<16x32xi32, #tpu.memory_space<vmem>> -> memref<1x32xi32, #tpu.memory_space<vmem>>
    %dma_start3A_206 = tpu.memref_squeeze %dma_start3A_205 : memref<1x32xi32, #tpu.memory_space<vmem>> -> memref<32xi32, #tpu.memory_space<vmem>>
    %dma_start3A_207 = arith.constant 0 : i32
    %dma_start3A_208 = arith.constant 0 : i32
    %dma_start3A_209 = tpu.memref_slice %arg8[%dma_start3A_207, %dma_start3A_208] : memref<1000x1000xf32, #tpu.memory_space<vmem_shared>> -> memref<1000x1000xf32, #tpu.memory_space<vmem_shared>>
    tpu.enqueue_indirect_dma source(%dma_start3A_209 : memref<1000x1000xf32, #tpu.memory_space<vmem_shared>>) target(%arg7 : memref<32x1000xf32, #tpu.memory_space<vmem>>) offsets(%dma_start3A_206 : memref<32xi32, #tpu.memory_space<vmem>>) semaphore(%arg10 : memref<!tpu.dma_semaphore, #tpu.memory_space<semaphore_mem>>)
    %dma_wait3A_210 = arith.constant 12 : i32
    %dma_wait3A_211 = arith.constant 0 : i32
    %dma_wait3A_212 = tpu.memref_slice %arg5[%dma_wait3A_210, %dma_wait3A_211] : memref<16x32xi32, #tpu.memory_space<vmem>> -> memref<1x32xi32, #tpu.memory_space<vmem>>
    %dma_wait3A_213 = tpu.memref_squeeze %dma_wait3A_212 : memref<1x32xi32, #tpu.memory_space<vmem>> -> memref<32xi32, #tpu.memory_space<vmem>>
    %dma_wait3A_214 = arith.constant 0 : i32
    %dma_wait3A_215 = arith.constant 0 : i32
    %dma_wait3A_216 = tpu.memref_slice %arg8[%dma_wait3A_214, %dma_wait3A_215] : memref<1000x1000xf32, #tpu.memory_space<vmem_shared>> -> memref<1000x1000xf32, #tpu.memory_space<vmem_shared>>
    tpu.wait_indirect_dma semaphore(%arg9 : memref<!tpu.dma_semaphore, #tpu.memory_space<semaphore_mem>>) src(%dma_wait3A_216 : memref<1000x1000xf32, #tpu.memory_space<vmem_shared>>) dst(%arg6 : memref<32x1000xf32, #tpu.memory_space<vmem>>)
    %add3A_217 = arith.constant 384 : i32
    %add3A_218 = arith.addi %mul3A_5, %add3A_217 : i32
    "tpu.region"() ({
      %run_scoped3A = tpu.sem_alloc : memref<!tpu.dma_semaphore, #tpu.memory_space<semaphore_mem>>
      %dma_start3A_260 = arith.constant 0 : i32
      %dma_start3A_261 = tpu.memref_slice %arg4[%add3A_218, %dma_start3A_260] : memref<16384x1000xf32, #tpu.memory_space<hbm>> -> memref<32x1000xf32, #tpu.memory_space<hbm>>
      %dma_start3A_262 = arith.constant 0 : i32
      %dma_start3A_263 = tpu.memref_slice %arg4[%add3A_218, %dma_start3A_262] : memref<16384x1000xf32, #tpu.memory_space<hbm>> -> memref<32x1000xf32, #tpu.memory_space<hbm>>
      tpu.enqueue_dma source(%arg6 : memref<32x1000xf32, #tpu.memory_space<vmem>>) target(%dma_start3A_263 : memref<32x1000xf32, #tpu.memory_space<hbm>>) target_semaphore(%run_scoped3A : memref<!tpu.dma_semaphore, #tpu.memory_space<semaphore_mem>>)
      %dma_wait3A_264 = arith.constant 0 : i32
      %dma_wait3A_265 = tpu.memref_slice %arg4[%add3A_218, %dma_wait3A_264] : memref<16384x1000xf32, #tpu.memory_space<hbm>> -> memref<32x1000xf32, #tpu.memory_space<hbm>>
      %dma_wait3A_266 = arith.constant 0 : i32
      %dma_wait3A_267 = tpu.memref_slice %arg4[%add3A_218, %dma_wait3A_266] : memref<16384x1000xf32, #tpu.memory_space<hbm>> -> memref<32x1000xf32, #tpu.memory_space<hbm>>
      tpu.wait_dma2 semaphore(%run_scoped3A : memref<!tpu.dma_semaphore, #tpu.memory_space<semaphore_mem>>) src(%arg6 : memref<32x1000xf32, #tpu.memory_space<vmem>>) dst(%dma_wait3A_267 : memref<32x1000xf32, #tpu.memory_space<hbm>>)
      tpu.yield
    }) : () -> ()
    %dma_start3A_219 = arith.constant 14 : i32
    %dma_start3A_220 = arith.constant 0 : i32
    %dma_start3A_221 = tpu.memref_slice %arg5[%dma_start3A_219, %dma_start3A_220] : memref<16x32xi32, #tpu.memory_space<vmem>> -> memref<1x32xi32, #tpu.memory_space<vmem>>
    %dma_start3A_222 = tpu.memref_squeeze %dma_start3A_221 : memref<1x32xi32, #tpu.memory_space<vmem>> -> memref<32xi32, #tpu.memory_space<vmem>>
    %dma_start3A_223 = arith.constant 0 : i32
    %dma_start3A_224 = arith.constant 0 : i32
    %dma_start3A_225 = tpu.memref_slice %arg8[%dma_start3A_223, %dma_start3A_224] : memref<1000x1000xf32, #tpu.memory_space<vmem_shared>> -> memref<1000x1000xf32, #tpu.memory_space<vmem_shared>>
    tpu.enqueue_indirect_dma source(%dma_start3A_225 : memref<1000x1000xf32, #tpu.memory_space<vmem_shared>>) target(%arg6 : memref<32x1000xf32, #tpu.memory_space<vmem>>) offsets(%dma_start3A_222 : memref<32xi32, #tpu.memory_space<vmem>>) semaphore(%arg9 : memref<!tpu.dma_semaphore, #tpu.memory_space<semaphore_mem>>)
    %dma_wait3A_226 = arith.constant 13 : i32
    %dma_wait3A_227 = arith.constant 0 : i32
    %dma_wait3A_228 = tpu.memref_slice %arg5[%dma_wait3A_226, %dma_wait3A_227] : memref<16x32xi32, #tpu.memory_space<vmem>> -> memref<1x32xi32, #tpu.memory_space<vmem>>
    %dma_wait3A_229 = tpu.memref_squeeze %dma_wait3A_228 : memref<1x32xi32, #tpu.memory_space<vmem>> -> memref<32xi32, #tpu.memory_space<vmem>>
    %dma_wait3A_230 = arith.constant 0 : i32
    %dma_wait3A_231 = arith.constant 0 : i32
    %dma_wait3A_232 = tpu.memref_slice %arg8[%dma_wait3A_230, %dma_wait3A_231] : memref<1000x1000xf32, #tpu.memory_space<vmem_shared>> -> memref<1000x1000xf32, #tpu.memory_space<vmem_shared>>
    tpu.wait_indirect_dma semaphore(%arg10 : memref<!tpu.dma_semaphore, #tpu.memory_space<semaphore_mem>>) src(%dma_wait3A_232 : memref<1000x1000xf32, #tpu.memory_space<vmem_shared>>) dst(%arg7 : memref<32x1000xf32, #tpu.memory_space<vmem>>)
    %add3A_233 = arith.constant 416 : i32
    %add3A_234 = arith.addi %mul3A_5, %add3A_233 : i32
    "tpu.region"() ({
      %run_scoped3A = tpu.sem_alloc : memref<!tpu.dma_semaphore, #tpu.memory_space<semaphore_mem>>
      %dma_start3A_260 = arith.constant 0 : i32
      %dma_start3A_261 = tpu.memref_slice %arg4[%add3A_234, %dma_start3A_260] : memref<16384x1000xf32, #tpu.memory_space<hbm>> -> memref<32x1000xf32, #tpu.memory_space<hbm>>
      %dma_start3A_262 = arith.constant 0 : i32
      %dma_start3A_263 = tpu.memref_slice %arg4[%add3A_234, %dma_start3A_262] : memref<16384x1000xf32, #tpu.memory_space<hbm>> -> memref<32x1000xf32, #tpu.memory_space<hbm>>
      tpu.enqueue_dma source(%arg7 : memref<32x1000xf32, #tpu.memory_space<vmem>>) target(%dma_start3A_263 : memref<32x1000xf32, #tpu.memory_space<hbm>>) target_semaphore(%run_scoped3A : memref<!tpu.dma_semaphore, #tpu.memory_space<semaphore_mem>>)
      %dma_wait3A_264 = arith.constant 0 : i32
      %dma_wait3A_265 = tpu.memref_slice %arg4[%add3A_234, %dma_wait3A_264] : memref<16384x1000xf32, #tpu.memory_space<hbm>> -> memref<32x1000xf32, #tpu.memory_space<hbm>>
      %dma_wait3A_266 = arith.constant 0 : i32
      %dma_wait3A_267 = tpu.memref_slice %arg4[%add3A_234, %dma_wait3A_266] : memref<16384x1000xf32, #tpu.memory_space<hbm>> -> memref<32x1000xf32, #tpu.memory_space<hbm>>
      tpu.wait_dma2 semaphore(%run_scoped3A : memref<!tpu.dma_semaphore, #tpu.memory_space<semaphore_mem>>) src(%arg7 : memref<32x1000xf32, #tpu.memory_space<vmem>>) dst(%dma_wait3A_267 : memref<32x1000xf32, #tpu.memory_space<hbm>>)
      tpu.yield
    }) : () -> ()
    %dma_start3A_235 = arith.constant 15 : i32
    %dma_start3A_236 = arith.constant 0 : i32
    %dma_start3A_237 = tpu.memref_slice %arg5[%dma_start3A_235, %dma_start3A_236] : memref<16x32xi32, #tpu.memory_space<vmem>> -> memref<1x32xi32, #tpu.memory_space<vmem>>
    %dma_start3A_238 = tpu.memref_squeeze %dma_start3A_237 : memref<1x32xi32, #tpu.memory_space<vmem>> -> memref<32xi32, #tpu.memory_space<vmem>>
    %dma_start3A_239 = arith.constant 0 : i32
    %dma_start3A_240 = arith.constant 0 : i32
    %dma_start3A_241 = tpu.memref_slice %arg8[%dma_start3A_239, %dma_start3A_240] : memref<1000x1000xf32, #tpu.memory_space<vmem_shared>> -> memref<1000x1000xf32, #tpu.memory_space<vmem_shared>>
    tpu.enqueue_indirect_dma source(%dma_start3A_241 : memref<1000x1000xf32, #tpu.memory_space<vmem_shared>>) target(%arg7 : memref<32x1000xf32, #tpu.memory_space<vmem>>) offsets(%dma_start3A_238 : memref<32xi32, #tpu.memory_space<vmem>>) semaphore(%arg10 : memref<!tpu.dma_semaphore, #tpu.memory_space<semaphore_mem>>)
    %dma_wait3A_242 = arith.constant 14 : i32
    %dma_wait3A_243 = arith.constant 0 : i32
    %dma_wait3A_244 = tpu.memref_slice %arg5[%dma_wait3A_242, %dma_wait3A_243] : memref<16x32xi32, #tpu.memory_space<vmem>> -> memref<1x32xi32, #tpu.memory_space<vmem>>
    %dma_wait3A_245 = tpu.memref_squeeze %dma_wait3A_244 : memref<1x32xi32, #tpu.memory_space<vmem>> -> memref<32xi32, #tpu.memory_space<vmem>>
    %dma_wait3A_246 = arith.constant 0 : i32
    %dma_wait3A_247 = arith.constant 0 : i32
    %dma_wait3A_248 = tpu.memref_slice %arg8[%dma_wait3A_246, %dma_wait3A_247] : memref<1000x1000xf32, #tpu.memory_space<vmem_shared>> -> memref<1000x1000xf32, #tpu.memory_space<vmem_shared>>
    tpu.wait_indirect_dma semaphore(%arg9 : memref<!tpu.dma_semaphore, #tpu.memory_space<semaphore_mem>>) src(%dma_wait3A_248 : memref<1000x1000xf32, #tpu.memory_space<vmem_shared>>) dst(%arg6 : memref<32x1000xf32, #tpu.memory_space<vmem>>)
    %add3A_249 = arith.constant 448 : i32
    %add3A_250 = arith.addi %mul3A_5, %add3A_249 : i32
    "tpu.region"() ({
      %run_scoped3A = tpu.sem_alloc : memref<!tpu.dma_semaphore, #tpu.memory_space<semaphore_mem>>
      %dma_start3A_260 = arith.constant 0 : i32
      %dma_start3A_261 = tpu.memref_slice %arg4[%add3A_250, %dma_start3A_260] : memref<16384x1000xf32, #tpu.memory_space<hbm>> -> memref<32x1000xf32, #tpu.memory_space<hbm>>
      %dma_start3A_262 = arith.constant 0 : i32
      %dma_start3A_263 = tpu.memref_slice %arg4[%add3A_250, %dma_start3A_262] : memref<16384x1000xf32, #tpu.memory_space<hbm>> -> memref<32x1000xf32, #tpu.memory_space<hbm>>
      tpu.enqueue_dma source(%arg6 : memref<32x1000xf32, #tpu.memory_space<vmem>>) target(%dma_start3A_263 : memref<32x1000xf32, #tpu.memory_space<hbm>>) target_semaphore(%run_scoped3A : memref<!tpu.dma_semaphore, #tpu.memory_space<semaphore_mem>>)
      %dma_wait3A_264 = arith.constant 0 : i32
      %dma_wait3A_265 = tpu.memref_slice %arg4[%add3A_250, %dma_wait3A_264] : memref<16384x1000xf32, #tpu.memory_space<hbm>> -> memref<32x1000xf32, #tpu.memory_space<hbm>>
      %dma_wait3A_266 = arith.constant 0 : i32
      %dma_wait3A_267 = tpu.memref_slice %arg4[%add3A_250, %dma_wait3A_266] : memref<16384x1000xf32, #tpu.memory_space<hbm>> -> memref<32x1000xf32, #tpu.memory_space<hbm>>
      tpu.wait_dma2 semaphore(%run_scoped3A : memref<!tpu.dma_semaphore, #tpu.memory_space<semaphore_mem>>) src(%arg6 : memref<32x1000xf32, #tpu.memory_space<vmem>>) dst(%dma_wait3A_267 : memref<32x1000xf32, #tpu.memory_space<hbm>>)
      tpu.yield
    }) : () -> ()
    %dma_wait3A_251 = arith.constant 15 : i32
    %dma_wait3A_252 = arith.constant 0 : i32
    %dma_wait3A_253 = tpu.memref_slice %arg5[%dma_wait3A_251, %dma_wait3A_252] : memref<16x32xi32, #tpu.memory_space<vmem>> -> memref<1x32xi32, #tpu.memory_space<vmem>>
    %dma_wait3A_254 = tpu.memref_squeeze %dma_wait3A_253 : memref<1x32xi32, #tpu.memory_space<vmem>> -> memref<32xi32, #tpu.memory_space<vmem>>
    %dma_wait3A_255 = arith.constant 0 : i32
    %dma_wait3A_256 = arith.constant 0 : i32
    %dma_wait3A_257 = tpu.memref_slice %arg8[%dma_wait3A_255, %dma_wait3A_256] : memref<1000x1000xf32, #tpu.memory_space<vmem_shared>> -> memref<1000x1000xf32, #tpu.memory_space<vmem_shared>>
    tpu.wait_indirect_dma semaphore(%arg10 : memref<!tpu.dma_semaphore, #tpu.memory_space<semaphore_mem>>) src(%dma_wait3A_257 : memref<1000x1000xf32, #tpu.memory_space<vmem_shared>>) dst(%arg7 : memref<32x1000xf32, #tpu.memory_space<vmem>>)
    %add3A_258 = arith.constant 480 : i32
    %add3A_259 = arith.addi %mul3A_5, %add3A_258 : i32
    "tpu.region"() ({
      %run_scoped3A = tpu.sem_alloc : memref<!tpu.dma_semaphore, #tpu.memory_space<semaphore_mem>>
      %dma_start3A_260 = arith.constant 0 : i32
      %dma_start3A_261 = tpu.memref_slice %arg4[%add3A_259, %dma_start3A_260] : memref<16384x1000xf32, #tpu.memory_space<hbm>> -> memref<32x1000xf32, #tpu.memory_space<hbm>>
      %dma_start3A_262 = arith.constant 0 : i32
      %dma_start3A_263 = tpu.memref_slice %arg4[%add3A_259, %dma_start3A_262] : memref<16384x1000xf32, #tpu.memory_space<hbm>> -> memref<32x1000xf32, #tpu.memory_space<hbm>>
      tpu.enqueue_dma source(%arg7 : memref<32x1000xf32, #tpu.memory_space<vmem>>) target(%dma_start3A_263 : memref<32x1000xf32, #tpu.memory_space<hbm>>) target_semaphore(%run_scoped3A : memref<!tpu.dma_semaphore, #tpu.memory_space<semaphore_mem>>)
      %dma_wait3A_264 = arith.constant 0 : i32
      %dma_wait3A_265 = tpu.memref_slice %arg4[%add3A_259, %dma_wait3A_264] : memref<16384x1000xf32, #tpu.memory_space<hbm>> -> memref<32x1000xf32, #tpu.memory_space<hbm>>
      %dma_wait3A_266 = arith.constant 0 : i32
      %dma_wait3A_267 = tpu.memref_slice %arg4[%add3A_259, %dma_wait3A_266] : memref<16384x1000xf32, #tpu.memory_space<hbm>> -> memref<32x1000xf32, #tpu.memory_space<hbm>>
      tpu.wait_dma2 semaphore(%run_scoped3A : memref<!tpu.dma_semaphore, #tpu.memory_space<semaphore_mem>>) src(%arg7 : memref<32x1000xf32, #tpu.memory_space<vmem>>) dst(%dma_wait3A_267 : memref<32x1000xf32, #tpu.memory_space<hbm>>)
      tpu.yield
    }) : () -> ()
    return
  }
}

module attributes {stable_mosaic.version = 14 : i64} {
  func.func @_sigmoid_body(%arg0: memref<1000x1000xf32, #tpu.memory_space<vmem>>, %arg1: memref<1000x1000xf32, #tpu.memory_space<vmem>>) attributes {dimension_semantics = [], scalar_prefetch = 0 : i64, scratch_operands = 0 : i64, tpu.core_type = #tpu.core_type<tc>} {
    %get3A = arith.constant 0 : index
    %get3A_0 = arith.constant 0 : index
    %get3A_1 = vector.load %arg0[%get3A, %get3A_0] : memref<1000x1000xf32, #tpu.memory_space<vmem>>, vector<1000x1000xf32>
    %logistic3A = arith.negf %get3A_1 : vector<1000x1000xf32>
    %logistic3A_2 = math.exp %logistic3A : vector<1000x1000xf32>
    %logistic3A_3 = arith.constant 1.000000e+00 : f32
    %logistic3A_4 = vector.broadcast %logistic3A_3 : f32 to vector<1000x1000xf32>
    %logistic3A_5 = arith.addf %logistic3A_4, %logistic3A_2 : vector<1000x1000xf32>
    %logistic3A_6 = arith.divf %logistic3A_4, %logistic3A_5 : vector<1000x1000xf32>
    %swap3A = arith.constant 0 : index
    %swap3A_7 = arith.constant 0 : index
    %swap3A_8 = vector.load %arg1[%swap3A, %swap3A_7] : memref<1000x1000xf32, #tpu.memory_space<vmem>>, vector<1000x1000xf32>
    tpu.vector_store %arg1[%swap3A, %swap3A_7], %logistic3A_6 {strides = array<i32>} : memref<1000x1000xf32, #tpu.memory_space<vmem>>, vector<1000x1000xf32>,
    return
  }
}

</mosaic_0001>

<sc_bundles>
// kernel: kernel.4.cloned.1.call-start
scs
__scs_entry_jumppad:
0x0: {  	(pc) =	sbr.rel $0x88, $3  }
0x1: {  	(tag) =	ssettag $0x0;
	lr =	simm.s32 $0x1  }
0x2: {  	[smem:$0x3F9F] =	sst lr;
	_ =	strace $0xD0000000  }
0x3: {  	_ = 	snop  }
0x4: {  	_ = 	snop  }
0x5: {  	_ = 	snop  }
0x6: {  	_ = 	snop  }
0x7: {  	_ = 	snop  }
__scs_overlays_trampoline_lowered:
0x8: {  	[smem:$0x3FAE] =	sst s0  }
0x9: {  	[smem:$0x3FAF] =	sst s1  }
0xa: {  	[smem:$0x3FB0] =	sst s2  }
0xb: {  	[smem:$0x3FB1] =	sst s3  }
0xc: {  	[smem:$0x3FB2] =	sst s4  }
0xd: {  	[smem:$0x3FB3] =	sst s5  }
0xe: {  	[smem:$0x3FB4] =	sst s6  }
0xf: {  	[smem:$0x3FB5] =	sst s7  }
0x10: {  	[smem:$0x3FB6] =	sst s8  }
0x11: {  	[smem:$0x3FB7] =	sst s9;
	s0 =	simm.s32 @!p0 $0x0  }
0x12: {  	s1 =	sld [smem:$0x3F9D];
	s0 =	simm.s32 @p0 $0x1  }
0x13: {  	[smem:$0x3FB8] =	sst s0;
	s0 =	simm.s32 @!p1 $0x0  }
0x14: {  	s2 =	sld [smem:$0x3F9C];
	s0 =	simm.s32 @p1 $0x1  }
0x15: {  	[smem:$0x3FB9] =	sst s0;
	s0 =	simm.s32 @!p2 $0x0  }
0x16: {  	s3 =	sld [smem:$0x3FDB];
	s0 =	simm.s32 @p2 $0x1  }
0x17: {  	s4 =	simm.s32 $0x1BF5;
	[smem:$0x3FBB] =	sst s0  }
0x18: {  	s0 =	sld [smem:$0x3F9E];
	_ =	swait.ge [sflag:s4], $0x0  }
0x19: {  	s7 =	sld [smem:$0x3F9F]  }
0x1a: {  	s8 =	sadd.s32 $0xFFFFE003, lr  }
0x1b: {  	s9 =	sadd.s32 $0xFFFFFEF7, lr;
	s5 =	simm.s32 $0xFFFFFFFF;
	p2 =	slt.u32 s8, $0xFFFFF086  }
0x1c: {  	p1 =	slt.u32 s9, $0xF7A;
	s5 =	simm.s32 @!p2 $0x0  }
0x1d: {  	s5 =	simm.s32 @p1 $0x1;
	p0 =	seq.s32 s7, s2  }
0x1e: {  	s7 =	smul.u32 @!p0 $0xF7A, s2;
	p2 =	seq.s32 @!p0 s5, $0x0  }
0x1f: {  	s9 =	smul.u32 $0xF7A, s1;
	s8 =	simm.s32 @!p0 $0x1BF5;
	p2 =	por !p2, p0  }
0x20: {  	[sflag:s8] =	ssyncset.s32 @!p0 $0xFFFFF086;
	s6 =	sadd.s32 @!p0 s3, s7;
	s7 =	simm.s32 @!p0 $0x108  }
0x21: {  	s3 =	sadd.s32 s3, s9;
	s6 =	sadd.s32 @!p0 $0x88, s6;
	s7 =	simm.s32 @p2 $0x1082  }
0x22: {  	[simem:s7], [sflag:s8] =	dma.local @!p0 [hbm:s6], $0xF7A  }
0x23: {  	s9 =	sor.u32 $0xD0000000, s2;
	s6 =	simm.s32 $0x108;
	_ =	swait.ge @!p0 [sflag:s8], $0x0  }
0x24: {  	s3 =	sadd.s32 $0x88, s3;
	s6 =	simm.s32 @!p1 $0x1082;
	[sflag:s4] =	ssyncset.s32 $0xFFFFF086  }
0x25: {  	[simem:s6], [sflag:s4] =	dma.local [hbm:s3], $0xF7A  }
0x26: {  	[smem:$0x3F9F] =	sst s1;
	(tag) =	ssettag s2;
	_ =	strace s9  }
0x27: {  	s1 =	sld [smem:$0x3FAF]  }
0x28: {  	s2 =	sld [smem:$0x3FB0]  }
0x29: {  	s4 =	sld [smem:$0x3FB2]  }
0x2a: {  	p0 =	seq.s32 s5, $0x0;
	s5 =	sld [smem:$0x3FB3]  }
0x2b: {  	s6 =	sld [smem:$0x3FB4]  }
0x2c: {  	s7 =	sld [smem:$0x3FB5]  }
0x2d: {  	s3 =	simm.s32 $0x108;
	s8 =	sld [smem:$0x3FB6]  }
0x2e: {  	s3 =	simm.s32 @!p0 $0x1082;
	s9 =	sld [smem:$0x3FB7]  }
0x2f: {  	lr =	sadd.s32 s0, s3;
	s0 =	sld [smem:$0x3FAE]  }
0x30: {  	s3 =	sld [smem:$0x3FB1]  }
0x31: {  	[smem:$0x3FBA] =	sst s10  }
0x32: {  	s10 =	sld [smem:$0x3FB8];
	_ =	sdelay $0x3  }
0x33: {  	p0 =	seq.s32 s10, $0x1;
	s10 =	sld [smem:$0x3FBA];
	_ =	sdelay $0x3  }
0x34: {  	[smem:$0x3FBA] =	sst s10  }
0x35: {  	s10 =	sld [smem:$0x3FB9];
	_ =	sdelay $0x3  }
0x36: {  	p1 =	seq.s32 s10, $0x1;
	s10 =	sld [smem:$0x3FBA];
	_ =	sdelay $0x3  }
0x37: {  	[smem:$0x3FBA] =	sst s10  }
0x38: {  	s10 =	sld [smem:$0x3FBB]  }
0x39: {  	_ = 	snop;
	(pc) =	sbr.ind lr, $3  }
0x3a: {  	_ = 	snop  }
0x3b: {  	_ = 	snop  }
0x3c: {  	p2 =	seq.s32 s10, $0x1;
	s10 =	sld [smem:$0x3FBA]  }
0x3d: {  	_ =	shalt  }
0x3e: {  	_ =	shalt  }
0x3f: {  	_ =	shalt  }
0x40: {  	_ =	shalt  }
0x41: {  	_ =	shalt  }
0x42: {  	_ =	shalt  }
0x43: {  	_ =	shalt  }
0x44: {  	_ =	shalt  }
0x45: {  	_ =	shalt  }
0x46: {  	_ =	shalt  }
0x47: {  	_ =	shalt  }
0x48: {  	_ =	shalt  }
0x49: {  	_ =	shalt  }
0x4a: {  	_ =	shalt  }
0x4b: {  	_ =	shalt  }
0x4c: {  	_ =	shalt  }
0x4d: {  	_ =	shalt  }
0x4e: {  	_ =	shalt  }
0x4f: {  	_ =	shalt  }
0x50: {  	_ =	shalt  }
0x51: {  	_ =	shalt  }
0x52: {  	_ =	shalt  }
0x53: {  	_ =	shalt  }
0x54: {  	_ =	shalt  }
0x55: {  	_ =	shalt  }
0x56: {  	_ =	shalt  }
0x57: {  	_ =	shalt  }
0x58: {  	_ =	shalt  }
0x59: {  	_ =	shalt  }
0x5a: {  	_ =	shalt  }
0x5b: {  	_ =	shalt  }
0x5c: {  	_ =	shalt  }
0x5d: {  	_ =	shalt  }
0x5e: {  	_ =	shalt  }
0x5f: {  	_ =	shalt  }
0x60: {  	_ =	shalt  }
0x61: {  	_ =	shalt  }
0x62: {  	_ =	shalt  }
0x63: {  	_ =	shalt  }
0x64: {  	_ =	shalt  }
0x65: {  	_ =	shalt  }
0x66: {  	_ =	shalt  }
0x67: {  	_ =	shalt  }
0x68: {  	_ =	shalt  }
0x69: {  	_ =	shalt  }
0x6a: {  	_ =	shalt  }
0x6b: {  	_ =	shalt  }
0x6c: {  	_ =	shalt  }
0x6d: {  	_ =	shalt  }
0x6e: {  	_ =	shalt  }
0x6f: {  	_ =	shalt  }
0x70: {  	_ =	shalt  }
0x71: {  	_ =	shalt  }
0x72: {  	_ =	shalt  }
0x73: {  	_ =	shalt  }
0x74: {  	_ =	shalt  }
0x75: {  	_ =	shalt  }
0x76: {  	_ =	shalt  }
0x77: {  	_ =	shalt  }
0x78: {  	_ =	shalt  }
0x79: {  	_ =	shalt  }
0x7a: {  	_ =	shalt  }
0x7b: {  	_ =	shalt  }
0x7c: {  	_ =	shalt  }
0x7d: {  	_ =	shalt  }
0x7e: {  	_ =	shalt  }
0x7f: {  	_ =	shalt  }
0x80: {  	_ =	shalt  }
0x81: {  	_ =	shalt  }
0x82: {  	_ =	shalt  }
0x83: {  	_ =	shalt  }
0x84: {  	_ =	shalt  }
0x85: {  	_ =	shalt  }
0x86: {  	_ =	shalt  }
0x87: {  	_ =	shalt  }
.Lfunc_end0:
.L_simem_size_0:
called_computation.1_lowered:
.L_overlay_start_0:
0x88: {  	s2 =	sld [smem:$0x3FD9]  }
0x89: {  	s3 =	sld [smem:$0x3FFE];
	_ =	sdelay $0x1  }
0x8a: {  	s1 =	srdreg.scid  }
0x8b: {  	s0 =	sand.u32 $0x1, s1  }
0x8c: {  	s17 =	sshll.u32 s0, $0xA;
	s2 =	sadd.s32 s3, s2  }
0x8d: {  	s2 =	sadd.s32 s2, s17  }
0x8e: {  	[smem:$0x3FC6] =	sst s2  }
0x8f: {  	_ = 	snop  }
0x90: {  	s2 =	sld [smem:$0x3FC9]  }
0x91: {  	s18 =	sld [smem:$0x3FD0];
	(tm) =	ssettm $0x1  }
0x92: {  	s4 =	sld [smem:$0x3FFB];
	_ =	sdelay $0x3  }
0x93: {  	_ =	strace s4  }
0x94: {  	s4 =	sld [smem:$0x3FFC];
	_ =	sdelay $0x3  }
0x95: {  	_ =	strace s4  }
0x96: {  	s4 =	sld [smem:$0x3FFD];
	_ =	sdelay $0x3  }
0x97: {  	_ =	strace s4  }
0x98: {  	_ =	strace $0x8FFFFFFF  }
0x99: {  	s19 =	sld [smem:$0x3FDB];
	_ =	sdelay $0x1  }
0x9a: {  	s5 =	simm.s32 $_scs_section_size  }
0x9b: {  	s6 =	simm.s32 $_size__tile_overlayer_lowered;
	s7 =	simm.s32 $_tile_overlayer_lowered  }
0x9c: {  	s22 =	simm.s32 $0x1BFF;
	s21 =	sshll.u32 s7, $0x1;
	s4 =	sadd.s32 s5, s19  }
0x9d: {  	s8 =	simm.s32 $0x0;
	s20 =	sshll.u32 s6, $0x1;
	s6 =	sadd.s32 s21, s4  }
0x9e: {  	[timem:s8], [sflag:s22] =	dma.local [hbm:s6], s20  }
0x9f: {  	_ =	swait.ge [sflag:s22], s20  }
0xa0: {  	s5 =	ssub.s32 $0x0, s20;
	[sflag:s22] =	ssyncset.done $0x0  }
0xa1: {  	[sflag:s22] =	ssyncadd.s32 s5;
	_ =	sdelay $0x1  }
0xa2: {  	s23 =	simm.s32 $0x1B8B  }
0xa3: {  	_ =	swait.ge [sflag:s23], $0x1  }
0xa4: {  	[sflag:s23] =	ssyncset.done $0x0  }
0xa5: {  	s25 =	simm.s32 $0x1B8E;
	s24 =	sld [smem:$0x3FFE];
	[sflag:s23] =	ssyncadd.s32 $0xFFFFFFFF  }
0xa6: {  	s26 =	simm.s32 $execute0_lowered;
	[smem:$0x3FD2] =	sst s25  }
0xa7: {  	s6 =	sshll.u32 s26, $0x1;
	_ =	strace $0x80000046;
	[dreg:$0x1] =	wrdreg $0xFFFFFFFF  }
0xa8: {  	s28 =	simm.s32 $_size_execute0_lowered;
	s4 =	sadd.s32 s4, s6;
	[dreg:$0x0] =	wrdreg $0x0  }
0xa9: {  	s6 =	sshll.u32 s28, $0x1;
	[dreg:$0x2] =	wrdreg s4  }
0xaa: {  	[dreg:$0x3] =	wrdreg s6  }
0xab: {  	[dreg:$0x4] =	wrdreg $0xC0  }
0xac: {  	_ =	task [dreg:s8], $0x5FFFF  }
0xad: {  	[dreg:$0x1] =	wrdreg $0xFFFFFFFF  }
0xae: {  	[dreg:$0x0] =	wrdreg $0x60  }
0xaf: {  	[dreg:$0x2] =	wrdreg s24  }
0xb0: {  	[dreg:$0x3] =	wrdreg s2  }
0xb1: {  	[dreg:$0x4] =	wrdreg s18  }
0xb2: {  	[dreg:$0x5] =	wrdreg $0xFC000  }
0xb3: {  	[dreg:$0x6] =	wrdreg $0x9  }
0xb4: {  	_ =	task.clear_ibuf [dreg:s8], $0x7FFFF;
	_ =	strace $0x90000046  }
0xb5: {  	s29 =	simm.s32 $0x9;
	_ =	strace $0x80000048  }
0xb6: {  	_ =	swait.ge [sflag:s29], $0x1  }
0xb7: {  	[sflag:s29] =	ssyncadd.s32 $0xFFFFFFFF  }
0xb8: {  	_ =	strace $0x90000048  }
0xb9: {  	_ =	sfence  }
0xba: {  	s30 =	sld [smem:$0x0];
	_ =	sdelay $0x2  }
0xbb: {  	s31 =	sshll.u32 s1, $0xD;
	s1 =	sshrl.u32 s1, $0x2  }
0xbc: {  	s3 =	sand.u32 $0x4000, s31;
	s1 =	sadd.s32 s1, s30  }
0xbd: {  	s0 =	sor.u32 s3, s0;
	s1 =	sshll.u32 s1, $0x11  }
0xbe: {  	s0 =	sor.u32 s1, s0  }
0xbf: {  	s0 =	sadd.s32 $0x8F2B, s0  }
0xc0: {  	[sflag:s0] =	ssyncadd.remote.s32 $0x1  }
0xc1: {  	_ =	sfence.sel $0xFFFF  }
0xc2: {  	[dreg:$0x0] =	wrdreg $0xFFFFFFFF;
	(pc) =	sbr.abs _section_cstart, $3  }
0xc3: {  	[dreg:$0x1] =	wrdreg $0xFFFFFFFF  }
0xc4: {  	_ =	task.clear_ibuf [dreg:s8], $0x2FFFF;
	_ =	strace $0x9FFFFFFF  }
0xc5: {  	(tm) =	ssettm $0x7FFFFFFF  }
tec
execute0_lowered:
.L_overlay_start_1:
0x0: {  	(tag) =	ssettag $0x1  }
0x1: {  	s0 =	rddreg [dreg:$0x0]  }
0x2: {  	s1 =	rddreg [dreg:$0x1]  }
0x3: {  	s16 =	stileid.u32;
	s5 =	rddreg [dreg:$0x2]  }
0x4: {  	s3 =	rddreg [dreg:$0x3];
	s7 =	srdreg.scid;
	s30 =	simm.s32 $0x60  }
0x5: {  	s29 =	simm.s32 $0x80;
	s28 =	simm.s32 $0xA0;
	s24 =	simm.s32 $0x100  }
0x6: {  	s23 =	simm.s32 $0x120;
	p0 =	por $0x0, $0x0;
	s4 =	sshll.u32 s16, $0x6  }
0x7: {  	s7 =	sand.u32 $0x1, s7;
	s9 =	sshll.u32 s16, $0x9;
	s2 =	smin.u32 s4, $0x3A8  }
0x8: {  	s25 =	sshll.u32 s7, $0xD;
	s4 =	sor.u32 $0x1C03, s4;
	s6 =	smul.u32 $0x3E8, s2  }
0x9: {  	s14 =	ssub.s32 $0x2, s7;
	s7 =	simm.s32 $0x7F00;
	s2 =	simm.s32 $0x0  }
0xa: {  	s17 =	sshrl.u32 s14, $0x1;
	[smem:$0x7FF] =	sst s2;
	s8 =	sshrl.u32 s6, $0x3  }
0xb: {  	_ =	strace $0x80000047;
	[dreg:$0x6] =	wrdreg s4;
	s20 =	sadd.s32 s6, s3  }
0xc: {  	s0 =	sadd.s32 s8, s0;
	s8 =	sor.u32 s9, s25;
	s31 =	sshrl.u32 s20, $0x3  }
0xd: {  	s25 =	simm.s32 $0xE0;
	s20 =	simm.s32 $0x180;
	s26 =	smul.u32 $0x3E8, s8  }
0xe: {  	s0 =	sadd.s32 $0xA00, s0;
	s9 =	sshrl.u32 s8, $0x3;
	s8 =	smul.u32 $0x7D, s8  }
0xf: {  	[dreg:$0x5] =	wrdreg s0;
	s1 =	sadd.s32 s1, s9;
	s0 =	sshrl.u32 s26, $0x3  }
0x10: {  	[dreg:$0x7] =	wrdreg s1;
	s8 =	sadd.s32 s5, s8;
	s0 =	sadd.s32 s5, s0  }
0x11: {  	s26 =	simm.s32 $0xC0;
	[dreg:$0x8] =	wrdreg s8;
	s9 =	sadd.s32 $0xFA0, s0  }
0x12: {  	s5 =	ssub.s32 s14, s17;
	s10 =	sadd.s32 $0x1F40, s0;
	[dreg:$0x9] =	wrdreg s9  }
0x13: {  	s8 =	simm.s32 $0x2;
	s11 =	sadd.s32 $0x2EE0, s0;
	[dreg:$0xa] =	wrdreg s10  }
0x14: {  	s17 =	simm.s32 $0x1E0;
	s12 =	sadd.s32 $0x3E80, s0;
	[dreg:$0xb] =	wrdreg s11  }
0x15: {  	s13 =	sadd.s32 $0x4E20, s0;
	s15 =	sadd.s32 $0x5DC0, s0;
	[dreg:$0xc] =	wrdreg s12  }
0x16: {  	s18 =	sadd.s32 $0x6D60, s0;
	s19 =	sadd.s32 $0x7D00, s0;
	[dreg:$0xd] =	wrdreg s13  }
0x17: {  	s21 =	sadd.s32 $0x8CA0, s0;
	s14 =	sadd.s32 $0xABE0, s0;
	[dreg:$0xe] =	wrdreg s15  }
0x18: {  	s6 =	sadd.s32 $0xDAC0, s0;
	s22 =	smax.u32 s5, $0x1;
	[dreg:$0xf] =	wrdreg s18  }
0x19: {  	s4 =	sadd.s32 $0xEA60, s0;
	[dreg:$0x10] =	wrdreg s19;
	p1 =	sne.s32 s22, $0x1  }
.Ltmp0:
0x1a: {  	s5 =	simm.s32 $0x3;
	[dreg:$0x11] =	wrdreg s21;
	(pc) =	sbr.rel @!p1 .LBB2_1-.Ltmp0, $4  }
0x1b: {  	s15 =	sadd.s32 $0x9C40, s0;
	s13 =	sadd.s32 $0xBB80, s0;
	s10 =	sadd.s32 $0xCB20, s0  }
0x1c: {  	s11 =	simm.s32 $0x20;
	s9 =	simm.s32 $0x200;
	s12 =	simm.s32 $0x1  }
0x1d: {  	s1 =	sadd.s32 $0xFFFFFFFF, s22;
	s22 =	simm.s32 $0x140;
	s21 =	simm.s32 $0x160  }
0x1e: {  	s19 =	simm.s32 $0x1A0;
	s18 =	simm.s32 $0x1C0;
	s0 =	rddreg [dreg:$0x5]  }
0x1f: {  	s16 =	smov.u32 s1;
	s1 =	rddreg [dreg:$0x6]  }
0x20: {  	[spmem:s31], [sflag:s1] =	dma.local [hbm:s0], $0x1F40  }
0x21: {  	_ =	swait.ge [sflag:s5], $0x1F40  }
0x22: {  	[sflag:s5] =	ssyncset.done $0x0  }
0x23: {  	[sflag:s5] =	ssyncadd.s32 $0xFFFFE0C0  }
0x24: {  	[bflag:$0x0] =	sbarrier.arrive $0xFFFF  }
0x25: {  	s1 =	rddreg [dreg:$0x7]  }
0x26: {  	[tilespmem:s2], [sflag:$0x3] =	stream.linear.gather [hbm4b:s1+s2], $0x200, $0x38;
	[tilespmem:$0x1F028] =	vst v63  }
0x27: {  	_ =	swait.ge [sflag:s5], $0x200  }
0x28: {  	[sflag:s5] =	ssyncset.done $0x0  }
0x29: {  	[sflag:s5] =	ssyncadd.s32 $0xFFFFFE00  }
0x2a: {  	[tilespmem:s9], [sflag:$0x1] =	stream.indirect.gather [spmem:s3], $0x3E8, s2, s11, $0xb8;
	[tilespmem:$0x1F028] =	vst v63  }
0x2b: {  	_ = 	snop  }
0x2c: {  	[tilespmem:s7], [sflag:$0x2] =	stream.indirect.gather [spmem:s3], $0x3E8, s11, s11, $0xb8;
	[tilespmem:$0x1F028] =	vst v63  }
0x2d: {  	_ =	swait.ge [sflag:s12], $0x7D00  }
0x2e: {  	[sflag:s12] =	ssyncset.done $0x0  }
0x2f: {  	s1 =	rddreg [dreg:$0x8];
	[sflag:s12] =	ssyncadd.s32 $0xFFFF8300  }
0x30: {  	[hbm4b:s1+s2] =	stream.linear.scatter [tilespmem:s9], [sflag:$0x3], $0x7D00, $0x38;
	[tilespmem:$0x1F028] =	vst v63  }
0x31: {  	_ =	swait.ge [sflag:s5], $0x7D00  }
0x32: {  	[sflag:s5] =	ssyncset.done $0x0  }
0x33: {  	s1 =	simm.s32 $0x40;
	[sflag:s5] =	ssyncadd.s32 $0xFFFF8300  }
0x34: {  	[tilespmem:s9], [sflag:$0x1] =	stream.indirect.gather [spmem:s3], $0x3E8, s1, s11, $0xb8;
	[tilespmem:$0x1F028] =	vst v63  }
0x35: {  	_ =	swait.ge [sflag:s8], $0x7D00  }
0x36: {  	[sflag:s8] =	ssyncset.done $0x0  }
0x37: {  	s1 =	rddreg [dreg:$0x9];
	[sflag:s8] =	ssyncadd.s32 $0xFFFF8300  }
0x38: {  	[hbm4b:s1+s2] =	stream.linear.scatter [tilespmem:s7], [sflag:$0x3], $0x7D00, $0x38;
	[tilespmem:$0x1F028] =	vst v63  }
0x39: {  	_ =	swait.ge [sflag:s5], $0x7D00  }
0x3a: {  	[sflag:s5] =	ssyncset.done $0x0  }
0x3b: {  	[sflag:s5] =	ssyncadd.s32 $0xFFFF8300  }
0x3c: {  	[tilespmem:s7], [sflag:$0x2] =	stream.indirect.gather [spmem:s3], $0x3E8, s30, s11, $0xb8;
	[tilespmem:$0x1F028] =	vst v63  }
0x3d: {  	_ =	swait.ge [sflag:s12], $0x7D00  }
0x3e: {  	[sflag:s12] =	ssyncset.done $0x0  }
0x3f: {  	s1 =	rddreg [dreg:$0xa];
	[sflag:s12] =	ssyncadd.s32 $0xFFFF8300  }
0x40: {  	[hbm4b:s1+s2] =	stream.linear.scatter [tilespmem:s9], [sflag:$0x3], $0x7D00, $0x38;
	[tilespmem:$0x1F028] =	vst v63  }
0x41: {  	_ =	swait.ge [sflag:s5], $0x7D00  }
0x42: {  	[sflag:s5] =	ssyncset.done $0x0  }
0x43: {  	[sflag:s5] =	ssyncadd.s32 $0xFFFF8300  }
0x44: {  	[tilespmem:s9], [sflag:$0x1] =	stream.indirect.gather [spmem:s3], $0x3E8, s29, s11, $0xb8;
	[tilespmem:$0x1F028] =	vst v63  }
0x45: {  	_ =	swait.ge [sflag:s8], $0x7D00  }
0x46: {  	[sflag:s8] =	ssyncset.done $0x0  }
0x47: {  	s1 =	rddreg [dreg:$0xb];
	[sflag:s8] =	ssyncadd.s32 $0xFFFF8300  }
0x48: {  	[hbm4b:s1+s2] =	stream.linear.scatter [tilespmem:s7], [sflag:$0x3], $0x7D00, $0x38;
	[tilespmem:$0x1F028] =	vst v63  }
0x49: {  	_ =	swait.ge [sflag:s5], $0x7D00  }
0x4a: {  	[sflag:s5] =	ssyncset.done $0x0  }
0x4b: {  	[sflag:s5] =	ssyncadd.s32 $0xFFFF8300  }
0x4c: {  	[tilespmem:s7], [sflag:$0x2] =	stream.indirect.gather [spmem:s3], $0x3E8, s28, s11, $0xb8;
	[tilespmem:$0x1F028] =	vst v63  }
0x4d: {  	_ =	swait.ge [sflag:s12], $0x7D00  }
0x4e: {  	[sflag:s12] =	ssyncset.done $0x0  }
0x4f: {  	s1 =	rddreg [dreg:$0xc];
	[sflag:s12] =	ssyncadd.s32 $0xFFFF8300  }
0x50: {  	[hbm4b:s1+s2] =	stream.linear.scatter [tilespmem:s9], [sflag:$0x3], $0x7D00, $0x38;
	[tilespmem:$0x1F028] =	vst v63  }
0x51: {  	_ =	swait.ge [sflag:s5], $0x7D00  }
0x52: {  	[sflag:s5] =	ssyncset.done $0x0  }
0x53: {  	[sflag:s5] =	ssyncadd.s32 $0xFFFF8300  }
0x54: {  	[tilespmem:s9], [sflag:$0x1] =	stream.indirect.gather [spmem:s3], $0x3E8, s26, s11, $0xb8;
	[tilespmem:$0x1F028] =	vst v63  }
0x55: {  	_ =	swait.ge [sflag:s8], $0x7D00  }
0x56: {  	[sflag:s8] =	ssyncset.done $0x0  }
0x57: {  	s1 =	rddreg [dreg:$0xd];
	[sflag:s8] =	ssyncadd.s32 $0xFFFF8300  }
0x58: {  	[hbm4b:s1+s2] =	stream.linear.scatter [tilespmem:s7], [sflag:$0x3], $0x7D00, $0x38;
	[tilespmem:$0x1F028] =	vst v63  }
0x59: {  	_ =	swait.ge [sflag:s5], $0x7D00  }
0x5a: {  	[sflag:s5] =	ssyncset.done $0x0  }
0x5b: {  	[sflag:s5] =	ssyncadd.s32 $0xFFFF8300  }
0x5c: {  	[tilespmem:s7], [sflag:$0x2] =	stream.indirect.gather [spmem:s3], $0x3E8, s25, s11, $0xb8;
	[tilespmem:$0x1F028] =	vst v63  }
0x5d: {  	_ =	swait.ge [sflag:s12], $0x7D00  }
0x5e: {  	[sflag:s12] =	ssyncset.done $0x0  }
0x5f: {  	s1 =	rddreg [dreg:$0xe];
	[sflag:s12] =	ssyncadd.s32 $0xFFFF8300  }
0x60: {  	[hbm4b:s1+s2] =	stream.linear.scatter [tilespmem:s9], [sflag:$0x3], $0x7D00, $0x38;
	[tilespmem:$0x1F028] =	vst v63  }
0x61: {  	_ =	swait.ge [sflag:s5], $0x7D00  }
0x62: {  	[sflag:s5] =	ssyncset.done $0x0  }
0x63: {  	[sflag:s5] =	ssyncadd.s32 $0xFFFF8300  }
0x64: {  	[tilespmem:s9], [sflag:$0x1] =	stream.indirect.gather [spmem:s3], $0x3E8, s24, s11, $0xb8;
	[tilespmem:$0x1F028] =	vst v63  }
0x65: {  	_ =	swait.ge [sflag:s8], $0x7D00  }
0x66: {  	[sflag:s8] =	ssyncset.done $0x0  }
0x67: {  	s1 =	rddreg [dreg:$0xf];
	[sflag:s8] =	ssyncadd.s32 $0xFFFF8300  }
0x68: {  	[hbm4b:s1+s2] =	stream.linear.scatter [tilespmem:s7], [sflag:$0x3], $0x7D00, $0x38;
	[tilespmem:$0x1F028] =	vst v63  }
0x69: {  	_ =	swait.ge [sflag:s5], $0x7D00  }
0x6a: {  	[sflag:s5] =	ssyncset.done $0x0  }
0x6b: {  	[sflag:s5] =	ssyncadd.s32 $0xFFFF8300  }
0x6c: {  	[tilespmem:s7], [sflag:$0x2] =	stream.indirect.gather [spmem:s3], $0x3E8, s23, s11, $0xb8;
	[tilespmem:$0x1F028] =	vst v63  }
0x6d: {  	_ =	swait.ge [sflag:s12], $0x7D00  }
0x6e: {  	[sflag:s12] =	ssyncset.done $0x0  }
0x6f: {  	s1 =	rddreg [dreg:$0x10];
	[sflag:s12] =	ssyncadd.s32 $0xFFFF8300  }
0x70: {  	[hbm4b:s1+s2] =	stream.linear.scatter [tilespmem:s9], [sflag:$0x3], $0x7D00, $0x38;
	[tilespmem:$0x1F028] =	vst v63  }
0x71: {  	_ =	swait.ge [sflag:s5], $0x7D00  }
0x72: {  	[sflag:s5] =	ssyncset.done $0x0  }
0x73: {  	[sflag:s5] =	ssyncadd.s32 $0xFFFF8300  }
0x74: {  	[tilespmem:s9], [sflag:$0x1] =	stream.indirect.gather [spmem:s3], $0x3E8, s22, s11, $0xb8;
	[tilespmem:$0x1F028] =	vst v63  }
0x75: {  	_ =	swait.ge [sflag:s8], $0x7D00  }
0x76: {  	[sflag:s8] =	ssyncset.done $0x0  }
0x77: {  	s1 =	rddreg [dreg:$0x11];
	[sflag:s8] =	ssyncadd.s32 $0xFFFF8300  }
0x78: {  	[hbm4b:s1+s2] =	stream.linear.scatter [tilespmem:s7], [sflag:$0x3], $0x7D00, $0x38;
	[tilespmem:$0x1F028] =	vst v63  }
0x79: {  	_ =	swait.ge [sflag:s5], $0x7D00  }
0x7a: {  	[sflag:s5] =	ssyncset.done $0x0  }
0x7b: {  	[sflag:s5] =	ssyncadd.s32 $0xFFFF8300  }
0x7c: {  	[tilespmem:s7], [sflag:$0x2] =	stream.indirect.gather [spmem:s3], $0x3E8, s21, s11, $0xb8;
	[tilespmem:$0x1F028] =	vst v63  }
0x7d: {  	_ =	swait.ge [sflag:s12], $0x7D00  }
0x7e: {  	[sflag:s12] =	ssyncset.done $0x0  }
0x7f: {  	[sflag:s12] =	ssyncadd.s32 $0xFFFF8300  }
0x80: {  	[hbm4b:s15+s2] =	stream.linear.scatter [tilespmem:s9], [sflag:$0x3], $0x7D00, $0x38;
	[tilespmem:$0x1F028] =	vst v63  }
0x81: {  	_ =	swait.ge [sflag:s5], $0x7D00  }
0x82: {  	[sflag:s5] =	ssyncset.done $0x0  }
0x83: {  	[sflag:s5] =	ssyncadd.s32 $0xFFFF8300  }
0x84: {  	[tilespmem:s9], [sflag:$0x1] =	stream.indirect.gather [spmem:s3], $0x3E8, s20, s11, $0xb8;
	[tilespmem:$0x1F028] =	vst v63  }
0x85: {  	_ =	swait.ge [sflag:s8], $0x7D00  }
0x86: {  	[sflag:s8] =	ssyncset.done $0x0  }
0x87: {  	[sflag:s8] =	ssyncadd.s32 $0xFFFF8300  }
0x88: {  	[hbm4b:s14+s2] =	stream.linear.scatter [tilespmem:s7], [sflag:$0x3], $0x7D00, $0x38;
	[tilespmem:$0x1F028] =	vst v63  }
0x89: {  	_ =	swait.ge [sflag:s5], $0x7D00  }
0x8a: {  	[sflag:s5] =	ssyncset.done $0x0  }
0x8b: {  	[sflag:s5] =	ssyncadd.s32 $0xFFFF8300  }
0x8c: {  	[tilespmem:s7], [sflag:$0x2] =	stream.indirect.gather [spmem:s3], $0x3E8, s19, s11, $0xb8;
	[tilespmem:$0x1F028] =	vst v63  }
0x8d: {  	_ =	swait.ge [sflag:s12], $0x7D00  }
0x8e: {  	[sflag:s12] =	ssyncset.done $0x0  }
0x8f: {  	[sflag:s12] =	ssyncadd.s32 $0xFFFF8300  }
0x90: {  	[hbm4b:s13+s2] =	stream.linear.scatter [tilespmem:s9], [sflag:$0x3], $0x7D00, $0x38;
	[tilespmem:$0x1F028] =	vst v63  }
0x91: {  	_ =	swait.ge [sflag:s5], $0x7D00  }
0x92: {  	[sflag:s5] =	ssyncset.done $0x0  }
0x93: {  	[sflag:s5] =	ssyncadd.s32 $0xFFFF8300  }
0x94: {  	[tilespmem:s9], [sflag:$0x1] =	stream.indirect.gather [spmem:s3], $0x3E8, s18, s11, $0xb8;
	[tilespmem:$0x1F028] =	vst v63  }
0x95: {  	_ =	swait.ge [sflag:s8], $0x7D00  }
0x96: {  	[sflag:s8] =	ssyncset.done $0x0  }
0x97: {  	[sflag:s8] =	ssyncadd.s32 $0xFFFF8300  }
0x98: {  	[hbm4b:s10+s2] =	stream.linear.scatter [tilespmem:s7], [sflag:$0x3], $0x7D00, $0x38;
	[tilespmem:$0x1F028] =	vst v63  }
0x99: {  	_ =	swait.ge [sflag:s5], $0x7D00  }
0x9a: {  	[sflag:s5] =	ssyncset.done $0x0  }
0x9b: {  	[sflag:s5] =	ssyncadd.s32 $0xFFFF8300  }
0x9c: {  	[tilespmem:s7], [sflag:$0x2] =	stream.indirect.gather [spmem:s3], $0x3E8, s17, s11, $0xb8;
	[tilespmem:$0x1F028] =	vst v63  }
0x9d: {  	_ =	swait.ge [sflag:s12], $0x7D00  }
0x9e: {  	[sflag:s12] =	ssyncset.done $0x0  }
0x9f: {  	[sflag:s12] =	ssyncadd.s32 $0xFFFF8300  }
0xa0: {  	[hbm4b:s6+s2] =	stream.linear.scatter [tilespmem:s9], [sflag:$0x3], $0x7D00, $0x38;
	[tilespmem:$0x1F028] =	vst v63  }
0xa1: {  	_ =	swait.ge [sflag:s5], $0x7D00  }
0xa2: {  	[sflag:s5] =	ssyncset.done $0x0  }
0xa3: {  	[sflag:s5] =	ssyncadd.s32 $0xFFFF8300  }
0xa4: {  	p1 =	sne.s32 s16, $0x1;
	_ =	swait.ge [sflag:s8], $0x7D00  }
.Ltmp1:
0xa5: {  	[sflag:s8] =	ssyncset.done $0x0;
	(pc) =	sbr.rel @!p1 .LBB2_3-.Ltmp1, $4  }
0xa6: {  	[sflag:s8] =	ssyncadd.s32 $0xFFFF8300  }
0xa7: {  	[hbm4b:s4+s2] =	stream.linear.scatter [tilespmem:s7], [sflag:$0x3], $0x7D00, $0x38;
	[tilespmem:$0x1F028] =	vst v63  }
0xa8: {  	p0 =	por $0x1, $0x1;
	_ =	swait.ge [sflag:s5], $0x7D00  }
0xa9: {  	s1 =	sadd.s32 $0xFFFFFFFF, s16;
	s0 =	rddreg [dreg:$0x5];
	[sflag:s5] =	ssyncset.done $0x0  }
.LBB2_4:
0xaa: {  	s16 =	rddreg [dreg:$0x6];
	[sflag:s5] =	ssyncadd.s32 $0xFFFF8300  }
0xab: {  	[spmem:s31], [sflag:s16] =	dma.local [hbm:s0], $0x1F40  }
0xac: {  	_ =	swait.ge [sflag:s5], $0x1F40  }
0xad: {  	[sflag:s5] =	ssyncset.done $0x0  }
0xae: {  	[sflag:s5] =	ssyncadd.s32 $0xFFFFE0C0  }
0xaf: {  	[bflag:$0x0] =	sbarrier.arrive $0xFFFF  }
0xb0: {  	s16 =	rddreg [dreg:$0x7]  }
0xb1: {  	[tilespmem:s2], [sflag:$0x3] =	stream.linear.gather [hbm4b:s16+s2], $0x200, $0x38;
	[tilespmem:$0x1F028] =	vst v63  }
0xb2: {  	_ =	swait.ge [sflag:s5], $0x200  }
0xb3: {  	[sflag:s5] =	ssyncset.done $0x0  }
0xb4: {  	[sflag:s5] =	ssyncadd.s32 $0xFFFFFE00  }
0xb5: {  	[tilespmem:s9], [sflag:$0x1] =	stream.indirect.gather [spmem:s3], $0x3E8, s2, s11, $0xb8;
	[tilespmem:$0x1F028] =	vst v63  }
0xb6: {  	_ = 	snop  }
0xb7: {  	[tilespmem:s7], [sflag:$0x2] =	stream.indirect.gather [spmem:s3], $0x3E8, s11, s11, $0xb8;
	[tilespmem:$0x1F028] =	vst v63  }
0xb8: {  	_ =	swait.ge [sflag:s12], $0x7D00  }
0xb9: {  	[sflag:s12] =	ssyncset.done $0x0  }
0xba: {  	s16 =	rddreg [dreg:$0x8];
	[sflag:s12] =	ssyncadd.s32 $0xFFFF8300  }
0xbb: {  	[hbm4b:s16+s2] =	stream.linear.scatter [tilespmem:s9], [sflag:$0x3], $0x7D00, $0x38;
	[tilespmem:$0x1F028] =	vst v63  }
0xbc: {  	_ =	swait.ge [sflag:s5], $0x7D00  }
0xbd: {  	[sflag:s5] =	ssyncset.done $0x0  }
0xbe: {  	s16 =	simm.s32 $0x40;
	[sflag:s5] =	ssyncadd.s32 $0xFFFF8300  }
0xbf: {  	[tilespmem:s9], [sflag:$0x1] =	stream.indirect.gather [spmem:s3], $0x3E8, s16, s11, $0xb8;
	[tilespmem:$0x1F028] =	vst v63  }
0xc0: {  	_ =	swait.ge [sflag:s8], $0x7D00  }
0xc1: {  	[sflag:s8] =	ssyncset.done $0x0  }
0xc2: {  	s16 =	rddreg [dreg:$0x9];
	[sflag:s8] =	ssyncadd.s32 $0xFFFF8300  }
0xc3: {  	[hbm4b:s16+s2] =	stream.linear.scatter [tilespmem:s7], [sflag:$0x3], $0x7D00, $0x38;
	[tilespmem:$0x1F028] =	vst v63  }
0xc4: {  	_ =	swait.ge [sflag:s5], $0x7D00  }
0xc5: {  	[sflag:s5] =	ssyncset.done $0x0  }
0xc6: {  	[sflag:s5] =	ssyncadd.s32 $0xFFFF8300  }
0xc7: {  	[tilespmem:s7], [sflag:$0x2] =	stream.indirect.gather [spmem:s3], $0x3E8, s30, s11, $0xb8;
	[tilespmem:$0x1F028] =	vst v63  }
0xc8: {  	_ =	swait.ge [sflag:s12], $0x7D00  }
0xc9: {  	[sflag:s12] =	ssyncset.done $0x0  }
0xca: {  	s16 =	rddreg [dreg:$0xa];
	[sflag:s12] =	ssyncadd.s32 $0xFFFF8300  }
0xcb: {  	[hbm4b:s16+s2] =	stream.linear.scatter [tilespmem:s9], [sflag:$0x3], $0x7D00, $0x38;
	[tilespmem:$0x1F028] =	vst v63  }
0xcc: {  	_ =	swait.ge [sflag:s5], $0x7D00  }
0xcd: {  	[sflag:s5] =	ssyncset.done $0x0  }
0xce: {  	[sflag:s5] =	ssyncadd.s32 $0xFFFF8300  }
0xcf: {  	[tilespmem:s9], [sflag:$0x1] =	stream.indirect.gather [spmem:s3], $0x3E8, s29, s11, $0xb8;
	[tilespmem:$0x1F028] =	vst v63  }
0xd0: {  	_ =	swait.ge [sflag:s8], $0x7D00  }
0xd1: {  	[sflag:s8] =	ssyncset.done $0x0  }
0xd2: {  	s16 =	rddreg [dreg:$0xb];
	[sflag:s8] =	ssyncadd.s32 $0xFFFF8300  }
0xd3: {  	[hbm4b:s16+s2] =	stream.linear.scatter [tilespmem:s7], [sflag:$0x3], $0x7D00, $0x38;
	[tilespmem:$0x1F028] =	vst v63  }
0xd4: {  	_ =	swait.ge [sflag:s5], $0x7D00  }
0xd5: {  	[sflag:s5] =	ssyncset.done $0x0  }
0xd6: {  	[sflag:s5] =	ssyncadd.s32 $0xFFFF8300  }
0xd7: {  	[tilespmem:s7], [sflag:$0x2] =	stream.indirect.gather [spmem:s3], $0x3E8, s28, s11, $0xb8;
	[tilespmem:$0x1F028] =	vst v63  }
0xd8: {  	_ =	swait.ge [sflag:s12], $0x7D00  }
0xd9: {  	[sflag:s12] =	ssyncset.done $0x0  }
0xda: {  	s16 =	rddreg [dreg:$0xc];
	[sflag:s12] =	ssyncadd.s32 $0xFFFF8300  }
0xdb: {  	[hbm4b:s16+s2] =	stream.linear.scatter [tilespmem:s9], [sflag:$0x3], $0x7D00, $0x38;
	[tilespmem:$0x1F028] =	vst v63  }
0xdc: {  	_ =	swait.ge [sflag:s5], $0x7D00  }
0xdd: {  	[sflag:s5] =	ssyncset.done $0x0  }
0xde: {  	[sflag:s5] =	ssyncadd.s32 $0xFFFF8300  }
0xdf: {  	[tilespmem:s9], [sflag:$0x1] =	stream.indirect.gather [spmem:s3], $0x3E8, s26, s11, $0xb8;
	[tilespmem:$0x1F028] =	vst v63  }
0xe0: {  	_ =	swait.ge [sflag:s8], $0x7D00  }
0xe1: {  	[sflag:s8] =	ssyncset.done $0x0  }
0xe2: {  	s16 =	rddreg [dreg:$0xd];
	[sflag:s8] =	ssyncadd.s32 $0xFFFF8300  }
0xe3: {  	[hbm4b:s16+s2] =	stream.linear.scatter [tilespmem:s7], [sflag:$0x3], $0x7D00, $0x38;
	[tilespmem:$0x1F028] =	vst v63  }
0xe4: {  	_ =	swait.ge [sflag:s5], $0x7D00  }
0xe5: {  	[sflag:s5] =	ssyncset.done $0x0  }
0xe6: {  	[sflag:s5] =	ssyncadd.s32 $0xFFFF8300  }
0xe7: {  	[tilespmem:s7], [sflag:$0x2] =	stream.indirect.gather [spmem:s3], $0x3E8, s25, s11, $0xb8;
	[tilespmem:$0x1F028] =	vst v63  }
0xe8: {  	_ =	swait.ge [sflag:s12], $0x7D00  }
0xe9: {  	[sflag:s12] =	ssyncset.done $0x0  }
0xea: {  	s16 =	rddreg [dreg:$0xe];
	[sflag:s12] =	ssyncadd.s32 $0xFFFF8300  }
0xeb: {  	[hbm4b:s16+s2] =	stream.linear.scatter [tilespmem:s9], [sflag:$0x3], $0x7D00, $0x38;
	[tilespmem:$0x1F028] =	vst v63  }
0xec: {  	_ =	swait.ge [sflag:s5], $0x7D00  }
0xed: {  	[sflag:s5] =	ssyncset.done $0x0  }
0xee: {  	[sflag:s5] =	ssyncadd.s32 $0xFFFF8300  }
0xef: {  	[tilespmem:s9], [sflag:$0x1] =	stream.indirect.gather [spmem:s3], $0x3E8, s24, s11, $0xb8;
	[tilespmem:$0x1F028] =	vst v63  }
0xf0: {  	_ =	swait.ge [sflag:s8], $0x7D00  }
0xf1: {  	[sflag:s8] =	ssyncset.done $0x0  }
0xf2: {  	s16 =	rddreg [dreg:$0xf];
	[sflag:s8] =	ssyncadd.s32 $0xFFFF8300  }
0xf3: {  	[hbm4b:s16+s2] =	stream.linear.scatter [tilespmem:s7], [sflag:$0x3], $0x7D00, $0x38;
	[tilespmem:$0x1F028] =	vst v63  }
0xf4: {  	_ =	swait.ge [sflag:s5], $0x7D00  }
0xf5: {  	[sflag:s5] =	ssyncset.done $0x0  }
0xf6: {  	[sflag:s5] =	ssyncadd.s32 $0xFFFF8300  }
0xf7: {  	[tilespmem:s7], [sflag:$0x2] =	stream.indirect.gather [spmem:s3], $0x3E8, s23, s11, $0xb8;
	[tilespmem:$0x1F028] =	vst v63  }
0xf8: {  	_ =	swait.ge [sflag:s12], $0x7D00  }
0xf9: {  	[sflag:s12] =	ssyncset.done $0x0  }
0xfa: {  	s16 =	rddreg [dreg:$0x10];
	[sflag:s12] =	ssyncadd.s32 $0xFFFF8300  }
0xfb: {  	[hbm4b:s16+s2] =	stream.linear.scatter [tilespmem:s9], [sflag:$0x3], $0x7D00, $0x38;
	[tilespmem:$0x1F028] =	vst v63  }
0xfc: {  	_ =	swait.ge [sflag:s5], $0x7D00  }
0xfd: {  	[sflag:s5] =	ssyncset.done $0x0  }
0xfe: {  	[sflag:s5] =	ssyncadd.s32 $0xFFFF8300  }
0xff: {  	[tilespmem:s9], [sflag:$0x1] =	stream.indirect.gather [spmem:s3], $0x3E8, s22, s11, $0xb8;
	[tilespmem:$0x1F028] =	vst v63  }
0x100: {  	_ =	swait.ge [sflag:s8], $0x7D00  }
0x101: {  	[sflag:s8] =	ssyncset.done $0x0  }
0x102: {  	s16 =	rddreg [dreg:$0x11];
	[sflag:s8] =	ssyncadd.s32 $0xFFFF8300  }
0x103: {  	[hbm4b:s16+s2] =	stream.linear.scatter [tilespmem:s7], [sflag:$0x3], $0x7D00, $0x38;
	[tilespmem:$0x1F028] =	vst v63  }
0x104: {  	_ =	swait.ge [sflag:s5], $0x7D00  }
0x105: {  	[sflag:s5] =	ssyncset.done $0x0  }
0x106: {  	[sflag:s5] =	ssyncadd.s32 $0xFFFF8300  }
0x107: {  	[tilespmem:s7], [sflag:$0x2] =	stream.indirect.gather [spmem:s3], $0x3E8, s21, s11, $0xb8;
	[tilespmem:$0x1F028] =	vst v63  }
0x108: {  	_ =	swait.ge [sflag:s12], $0x7D00  }
0x109: {  	[sflag:s12] =	ssyncset.done $0x0  }
0x10a: {  	[sflag:s12] =	ssyncadd.s32 $0xFFFF8300  }
0x10b: {  	[hbm4b:s15+s2] =	stream.linear.scatter [tilespmem:s9], [sflag:$0x3], $0x7D00, $0x38;
	[tilespmem:$0x1F028] =	vst v63  }
0x10c: {  	_ =	swait.ge [sflag:s5], $0x7D00  }
0x10d: {  	[sflag:s5] =	ssyncset.done $0x0  }
0x10e: {  	[sflag:s5] =	ssyncadd.s32 $0xFFFF8300  }
0x10f: {  	[tilespmem:s9], [sflag:$0x1] =	stream.indirect.gather [spmem:s3], $0x3E8, s20, s11, $0xb8;
	[tilespmem:$0x1F028] =	vst v63  }
0x110: {  	_ =	swait.ge [sflag:s8], $0x7D00  }
0x111: {  	[sflag:s8] =	ssyncset.done $0x0  }
0x112: {  	[sflag:s8] =	ssyncadd.s32 $0xFFFF8300  }
0x113: {  	[hbm4b:s14+s2] =	stream.linear.scatter [tilespmem:s7], [sflag:$0x3], $0x7D00, $0x38;
	[tilespmem:$0x1F028] =	vst v63  }
0x114: {  	_ =	swait.ge [sflag:s5], $0x7D00  }
0x115: {  	[sflag:s5] =	ssyncset.done $0x0  }
0x116: {  	[sflag:s5] =	ssyncadd.s32 $0xFFFF8300  }
0x117: {  	[tilespmem:s7], [sflag:$0x2] =	stream.indirect.gather [spmem:s3], $0x3E8, s19, s11, $0xb8;
	[tilespmem:$0x1F028] =	vst v63  }
0x118: {  	_ =	swait.ge [sflag:s12], $0x7D00  }
0x119: {  	[sflag:s12] =	ssyncset.done $0x0  }
0x11a: {  	[sflag:s12] =	ssyncadd.s32 $0xFFFF8300  }
0x11b: {  	[hbm4b:s13+s2] =	stream.linear.scatter [tilespmem:s9], [sflag:$0x3], $0x7D00, $0x38;
	[tilespmem:$0x1F028] =	vst v63  }
0x11c: {  	_ =	swait.ge [sflag:s5], $0x7D00  }
0x11d: {  	[sflag:s5] =	ssyncset.done $0x0  }
0x11e: {  	[sflag:s5] =	ssyncadd.s32 $0xFFFF8300  }
0x11f: {  	[tilespmem:s9], [sflag:$0x1] =	stream.indirect.gather [spmem:s3], $0x3E8, s18, s11, $0xb8;
	[tilespmem:$0x1F028] =	vst v63  }
0x120: {  	_ =	swait.ge [sflag:s8], $0x7D00  }
0x121: {  	[sflag:s8] =	ssyncset.done $0x0  }
0x122: {  	[sflag:s8] =	ssyncadd.s32 $0xFFFF8300  }
0x123: {  	[hbm4b:s10+s2] =	stream.linear.scatter [tilespmem:s7], [sflag:$0x3], $0x7D00, $0x38;
	[tilespmem:$0x1F028] =	vst v63  }
0x124: {  	_ =	swait.ge [sflag:s5], $0x7D00  }
0x125: {  	[sflag:s5] =	ssyncset.done $0x0  }
0x126: {  	[sflag:s5] =	ssyncadd.s32 $0xFFFF8300  }
0x127: {  	[tilespmem:s7], [sflag:$0x2] =	stream.indirect.gather [spmem:s3], $0x3E8, s17, s11, $0xb8;
	[tilespmem:$0x1F028] =	vst v63  }
0x128: {  	_ =	swait.ge [sflag:s12], $0x7D00  }
0x129: {  	[sflag:s12] =	ssyncset.done $0x0  }
0x12a: {  	[sflag:s12] =	ssyncadd.s32 $0xFFFF8300  }
0x12b: {  	[hbm4b:s6+s2] =	stream.linear.scatter [tilespmem:s9], [sflag:$0x3], $0x7D00, $0x38;
	[tilespmem:$0x1F028] =	vst v63  }
0x12c: {  	_ =	swait.ge [sflag:s5], $0x7D00  }
0x12d: {  	[sflag:s5] =	ssyncset.done $0x0  }
0x12e: {  	[sflag:s5] =	ssyncadd.s32 $0xFFFF8300  }
0x12f: {  	p1 =	sne.s32 s1, $0x1;
	_ =	swait.ge [sflag:s8], $0x7D00  }
.Ltmp2:
0x130: {  	[sflag:s8] =	ssyncset.done $0x0;
	(pc) =	sbr.rel @p1 .LBB2_4-.Ltmp2, $4  }
0x131: {  	[sflag:s8] =	ssyncadd.s32 $0xFFFF8300  }
0x132: {  	[hbm4b:s4+s2] =	stream.linear.scatter [tilespmem:s7], [sflag:$0x3], $0x7D00, $0x38;
	[tilespmem:$0x1F028] =	vst v63  }
0x133: {  	_ =	swait.ge [sflag:s5], $0x7D00  }
0x134: {  	s1 =	sadd.s32 $0xFFFFFFFF, s1;
	s0 =	rddreg [dreg:$0x5];
	[sflag:s5] =	ssyncset.done $0x0  }
0x135: {  	s17 =	simm.s32 $0x40;
	s30 =	simm.s32 $0x60  }
0x136: {  	s29 =	simm.s32 $0x80;
	s28 =	simm.s32 $0xA0;
	s26 =	simm.s32 $0xC0  }
0x137: {  	s25 =	simm.s32 $0xE0;
	s24 =	simm.s32 $0x100;
	s23 =	simm.s32 $0x120  }
0x138: {  	s22 =	simm.s32 $0x140;
	s21 =	simm.s32 $0x160;
	s20 =	simm.s32 $0x180  }
0x139: {  	s19 =	simm.s32 $0x1A0;
	s18 =	simm.s32 $0x1C0;
	s16 =	stileid.u32  }
.LBB2_6:
0x13a: {  	s1 =	rddreg [dreg:$0x6];
	[sflag:s5] =	ssyncadd.s32 @p0 $0xFFFF8300  }
0x13b: {  	[spmem:s31], [sflag:s1] =	dma.local [hbm:s0], $0x1F40  }
0x13c: {  	_ =	swait.ge [sflag:s5], $0x1F40  }
0x13d: {  	[sflag:s5] =	ssyncset.done $0x0  }
0x13e: {  	[sflag:s5] =	ssyncadd.s32 $0xFFFFE0C0  }
0x13f: {  	[bflag:$0x0] =	sbarrier.arrive $0xFFFF  }
0x140: {  	s31 =	rddreg [dreg:$0x7]  }
0x141: {  	[tilespmem:s2], [sflag:$0x3] =	stream.linear.gather [hbm4b:s31+s2], $0x200, $0x38;
	[tilespmem:$0x1F028] =	vst v63  }
0x142: {  	_ =	swait.ge [sflag:s5], $0x200  }
0x143: {  	[sflag:s5] =	ssyncset.done $0x0  }
0x144: {  	[sflag:s5] =	ssyncadd.s32 $0xFFFFFE00  }
0x145: {  	[tilespmem:s9], [sflag:$0x1] =	stream.indirect.gather [spmem:s3], $0x3E8, s2, s11, $0xb8;
	[tilespmem:$0x1F028] =	vst v63  }
0x146: {  	_ = 	snop  }
0x147: {  	[tilespmem:s7], [sflag:$0x2] =	stream.indirect.gather [spmem:s3], $0x3E8, s11, s11, $0xb8;
	[tilespmem:$0x1F028] =	vst v63  }
0x148: {  	_ =	swait.ge [sflag:s12], $0x7D00  }
0x149: {  	[sflag:s12] =	ssyncset.done $0x0  }
0x14a: {  	s1 =	rddreg [dreg:$0x8];
	[sflag:s12] =	ssyncadd.s32 $0xFFFF8300  }
0x14b: {  	[hbm4b:s1+s2] =	stream.linear.scatter [tilespmem:s9], [sflag:$0x3], $0x7D00, $0x38;
	[tilespmem:$0x1F028] =	vst v63  }
0x14c: {  	_ =	swait.ge [sflag:s5], $0x7D00  }
0x14d: {  	[sflag:s5] =	ssyncset.done $0x0  }
0x14e: {  	[sflag:s5] =	ssyncadd.s32 $0xFFFF8300  }
0x14f: {  	[tilespmem:s9], [sflag:$0x1] =	stream.indirect.gather [spmem:s3], $0x3E8, s17, s11, $0xb8;
	[tilespmem:$0x1F028] =	vst v63  }
0x150: {  	_ =	swait.ge [sflag:s8], $0x7D00  }
0x151: {  	[sflag:s8] =	ssyncset.done $0x0  }
0x152: {  	s17 =	rddreg [dreg:$0x9];
	[sflag:s8] =	ssyncadd.s32 $0xFFFF8300  }
0x153: {  	[hbm4b:s17+s2] =	stream.linear.scatter [tilespmem:s7], [sflag:$0x3], $0x7D00, $0x38;
	[tilespmem:$0x1F028] =	vst v63  }
0x154: {  	_ =	swait.ge [sflag:s5], $0x7D00  }
0x155: {  	[sflag:s5] =	ssyncset.done $0x0  }
0x156: {  	[sflag:s5] =	ssyncadd.s32 $0xFFFF8300  }
0x157: {  	[tilespmem:s7], [sflag:$0x2] =	stream.indirect.gather [spmem:s3], $0x3E8, s30, s11, $0xb8;
	[tilespmem:$0x1F028] =	vst v63  }
0x158: {  	_ =	swait.ge [sflag:s12], $0x7D00  }
0x159: {  	[sflag:s12] =	ssyncset.done $0x0  }
0x15a: {  	s30 =	rddreg [dreg:$0xa];
	[sflag:s12] =	ssyncadd.s32 $0xFFFF8300  }
0x15b: {  	[hbm4b:s30+s2] =	stream.linear.scatter [tilespmem:s9], [sflag:$0x3], $0x7D00, $0x38;
	[tilespmem:$0x1F028] =	vst v63  }
0x15c: {  	_ =	swait.ge [sflag:s5], $0x7D00  }
0x15d: {  	[sflag:s5] =	ssyncset.done $0x0  }
0x15e: {  	[sflag:s5] =	ssyncadd.s32 $0xFFFF8300  }
0x15f: {  	[tilespmem:s9], [sflag:$0x1] =	stream.indirect.gather [spmem:s3], $0x3E8, s29, s11, $0xb8;
	[tilespmem:$0x1F028] =	vst v63  }
0x160: {  	_ =	swait.ge [sflag:s8], $0x7D00  }
0x161: {  	[sflag:s8] =	ssyncset.done $0x0  }
0x162: {  	s31 =	rddreg [dreg:$0xb];
	[sflag:s8] =	ssyncadd.s32 $0xFFFF8300  }
0x163: {  	[hbm4b:s31+s2] =	stream.linear.scatter [tilespmem:s7], [sflag:$0x3], $0x7D00, $0x38;
	[tilespmem:$0x1F028] =	vst v63  }
0x164: {  	_ =	swait.ge [sflag:s5], $0x7D00  }
0x165: {  	[sflag:s5] =	ssyncset.done $0x0  }
0x166: {  	[sflag:s5] =	ssyncadd.s32 $0xFFFF8300  }
0x167: {  	[tilespmem:s7], [sflag:$0x2] =	stream.indirect.gather [spmem:s3], $0x3E8, s28, s11, $0xb8;
	[tilespmem:$0x1F028] =	vst v63  }
0x168: {  	_ =	swait.ge [sflag:s12], $0x7D00  }
0x169: {  	[sflag:s12] =	ssyncset.done $0x0  }
0x16a: {  	s1 =	rddreg [dreg:$0xc];
	[sflag:s12] =	ssyncadd.s32 $0xFFFF8300  }
0x16b: {  	[hbm4b:s1+s2] =	stream.linear.scatter [tilespmem:s9], [sflag:$0x3], $0x7D00, $0x38;
	[tilespmem:$0x1F028] =	vst v63  }
0x16c: {  	_ =	swait.ge [sflag:s5], $0x7D00  }
0x16d: {  	[sflag:s5] =	ssyncset.done $0x0  }
0x16e: {  	[sflag:s5] =	ssyncadd.s32 $0xFFFF8300  }
0x16f: {  	[tilespmem:s9], [sflag:$0x1] =	stream.indirect.gather [spmem:s3], $0x3E8, s26, s11, $0xb8;
	[tilespmem:$0x1F028] =	vst v63  }
0x170: {  	_ =	swait.ge [sflag:s8], $0x7D00  }
0x171: {  	[sflag:s8] =	ssyncset.done $0x0  }
0x172: {  	s17 =	rddreg [dreg:$0xd];
	[sflag:s8] =	ssyncadd.s32 $0xFFFF8300  }
0x173: {  	[hbm4b:s17+s2] =	stream.linear.scatter [tilespmem:s7], [sflag:$0x3], $0x7D00, $0x38;
	[tilespmem:$0x1F028] =	vst v63  }
0x174: {  	_ =	swait.ge [sflag:s5], $0x7D00  }
0x175: {  	[sflag:s5] =	ssyncset.done $0x0  }
0x176: {  	[sflag:s5] =	ssyncadd.s32 $0xFFFF8300  }
0x177: {  	[tilespmem:s7], [sflag:$0x2] =	stream.indirect.gather [spmem:s3], $0x3E8, s25, s11, $0xb8;
	[tilespmem:$0x1F028] =	vst v63  }
0x178: {  	_ =	swait.ge [sflag:s12], $0x7D00  }
0x179: {  	[sflag:s12] =	ssyncset.done $0x0  }
0x17a: {  	s26 =	rddreg [dreg:$0xe];
	[sflag:s12] =	ssyncadd.s32 $0xFFFF8300  }
0x17b: {  	[hbm4b:s26+s2] =	stream.linear.scatter [tilespmem:s9], [sflag:$0x3], $0x7D00, $0x38;
	[tilespmem:$0x1F028] =	vst v63  }
0x17c: {  	_ =	swait.ge [sflag:s5], $0x7D00  }
0x17d: {  	[sflag:s5] =	ssyncset.done $0x0  }
0x17e: {  	[sflag:s5] =	ssyncadd.s32 $0xFFFF8300  }
0x17f: {  	[tilespmem:s9], [sflag:$0x1] =	stream.indirect.gather [spmem:s3], $0x3E8, s24, s11, $0xb8;
	[tilespmem:$0x1F028] =	vst v63  }
0x180: {  	_ =	swait.ge [sflag:s8], $0x7D00  }
0x181: {  	[sflag:s8] =	ssyncset.done $0x0  }
0x182: {  	s28 =	rddreg [dreg:$0xf];
	[sflag:s8] =	ssyncadd.s32 $0xFFFF8300  }
0x183: {  	[hbm4b:s28+s2] =	stream.linear.scatter [tilespmem:s7], [sflag:$0x3], $0x7D00, $0x38;
	[tilespmem:$0x1F028] =	vst v63  }
0x184: {  	_ =	swait.ge [sflag:s5], $0x7D00  }
0x185: {  	[sflag:s5] =	ssyncset.done $0x0  }
0x186: {  	[sflag:s5] =	ssyncadd.s32 $0xFFFF8300  }
0x187: {  	[tilespmem:s7], [sflag:$0x2] =	stream.indirect.gather [spmem:s3], $0x3E8, s23, s11, $0xb8;
	[tilespmem:$0x1F028] =	vst v63  }
0x188: {  	_ =	swait.ge [sflag:s12], $0x7D00  }
0x189: {  	[sflag:s12] =	ssyncset.done $0x0  }
0x18a: {  	s29 =	rddreg [dreg:$0x10];
	[sflag:s12] =	ssyncadd.s32 $0xFFFF8300  }
0x18b: {  	[hbm4b:s29+s2] =	stream.linear.scatter [tilespmem:s9], [sflag:$0x3], $0x7D00, $0x38;
	[tilespmem:$0x1F028] =	vst v63  }
0x18c: {  	_ =	swait.ge [sflag:s5], $0x7D00  }
0x18d: {  	[sflag:s5] =	ssyncset.done $0x0  }
0x18e: {  	[sflag:s5] =	ssyncadd.s32 $0xFFFF8300  }
0x18f: {  	[tilespmem:s9], [sflag:$0x1] =	stream.indirect.gather [spmem:s3], $0x3E8, s22, s11, $0xb8;
	[tilespmem:$0x1F028] =	vst v63  }
0x190: {  	_ =	swait.ge [sflag:s8], $0x7D00  }
0x191: {  	[sflag:s8] =	ssyncset.done $0x0  }
0x192: {  	s30 =	rddreg [dreg:$0x11];
	[sflag:s8] =	ssyncadd.s32 $0xFFFF8300  }
0x193: {  	[hbm4b:s30+s2] =	stream.linear.scatter [tilespmem:s7], [sflag:$0x3], $0x7D00, $0x38;
	[tilespmem:$0x1F028] =	vst v63  }
0x194: {  	_ =	swait.ge [sflag:s5], $0x7D00  }
0x195: {  	[sflag:s5] =	ssyncset.done $0x0  }
0x196: {  	[sflag:s5] =	ssyncadd.s32 $0xFFFF8300  }
0x197: {  	[tilespmem:s7], [sflag:$0x2] =	stream.indirect.gather [spmem:s3], $0x3E8, s21, s11, $0xb8;
	[tilespmem:$0x1F028] =	vst v63  }
0x198: {  	_ =	swait.ge [sflag:s12], $0x7D00  }
0x199: {  	[sflag:s12] =	ssyncset.done $0x0  }
0x19a: {  	[sflag:s12] =	ssyncadd.s32 $0xFFFF8300  }
0x19b: {  	[hbm4b:s15+s2] =	stream.linear.scatter [tilespmem:s9], [sflag:$0x3], $0x7D00, $0x38;
	[tilespmem:$0x1F028] =	vst v63  }
0x19c: {  	_ =	swait.ge [sflag:s5], $0x7D00  }
0x19d: {  	[sflag:s5] =	ssyncset.done $0x0  }
0x19e: {  	[sflag:s5] =	ssyncadd.s32 $0xFFFF8300  }
0x19f: {  	[tilespmem:s9], [sflag:$0x1] =	stream.indirect.gather [spmem:s3], $0x3E8, s20, s11, $0xb8;
	[tilespmem:$0x1F028] =	vst v63  }
0x1a0: {  	_ =	swait.ge [sflag:s8], $0x7D00  }
0x1a1: {  	[sflag:s8] =	ssyncset.done $0x0  }
0x1a2: {  	[sflag:s8] =	ssyncadd.s32 $0xFFFF8300  }
0x1a3: {  	[hbm4b:s14+s2] =	stream.linear.scatter [tilespmem:s7], [sflag:$0x3], $0x7D00, $0x38;
	[tilespmem:$0x1F028] =	vst v63  }
0x1a4: {  	_ =	swait.ge [sflag:s5], $0x7D00  }
0x1a5: {  	[sflag:s5] =	ssyncset.done $0x0  }
0x1a6: {  	[sflag:s5] =	ssyncadd.s32 $0xFFFF8300  }
0x1a7: {  	[tilespmem:s7], [sflag:$0x2] =	stream.indirect.gather [spmem:s3], $0x3E8, s19, s11, $0xb8;
	[tilespmem:$0x1F028] =	vst v63  }
0x1a8: {  	_ =	swait.ge [sflag:s12], $0x7D00  }
0x1a9: {  	[sflag:s12] =	ssyncset.done $0x0  }
0x1aa: {  	[sflag:s12] =	ssyncadd.s32 $0xFFFF8300  }
0x1ab: {  	[hbm4b:s13+s2] =	stream.linear.scatter [tilespmem:s9], [sflag:$0x3], $0x7D00, $0x38;
	[tilespmem:$0x1F028] =	vst v63  }
0x1ac: {  	_ =	swait.ge [sflag:s5], $0x7D00  }
0x1ad: {  	[sflag:s5] =	ssyncset.done $0x0  }
0x1ae: {  	[sflag:s5] =	ssyncadd.s32 $0xFFFF8300  }
0x1af: {  	[tilespmem:s9], [sflag:$0x1] =	stream.indirect.gather [spmem:s3], $0x3E8, s18, s11, $0xb8;
	[tilespmem:$0x1F028] =	vst v63  }
0x1b0: {  	_ =	swait.ge [sflag:s8], $0x7D00  }
0x1b1: {  	[sflag:s8] =	ssyncset.done $0x0  }
0x1b2: {  	[sflag:s8] =	ssyncadd.s32 $0xFFFF8300  }
0x1b3: {  	[hbm4b:s10+s2] =	stream.linear.scatter [tilespmem:s7], [sflag:$0x3], $0x7D00, $0x38;
	[tilespmem:$0x1F028] =	vst v63  }
0x1b4: {  	_ =	swait.ge [sflag:s5], $0x7D00  }
0x1b5: {  	[sflag:s5] =	ssyncset.done $0x0  }
0x1b6: {  	s31 =	simm.s32 $0x1E0;
	[sflag:s5] =	ssyncadd.s32 $0xFFFF8300  }
0x1b7: {  	[tilespmem:s7], [sflag:$0x2] =	stream.indirect.gather [spmem:s3], $0x3E8, s31, s11, $0xb8;
	[tilespmem:$0x1F028] =	vst v63  }
0x1b8: {  	_ =	swait.ge [sflag:s12], $0x7D00  }
0x1b9: {  	[sflag:s12] =	ssyncset.done $0x0  }
0x1ba: {  	[sflag:s12] =	ssyncadd.s32 $0xFFFF8300  }
0x1bb: {  	[hbm4b:s6+s2] =	stream.linear.scatter [tilespmem:s9], [sflag:$0x3], $0x7D00, $0x38;
	[tilespmem:$0x1F028] =	vst v63  }
0x1bc: {  	_ =	swait.ge [sflag:s5], $0x7D00  }
0x1bd: {  	[sflag:s5] =	ssyncset.done $0x0  }
0x1be: {  	[sflag:s5] =	ssyncadd.s32 $0xFFFF8300  }
0x1bf: {  	_ =	swait.ge [sflag:s8], $0x7D00  }
0x1c0: {  	[sflag:s8] =	ssyncset.done $0x0  }
0x1c1: {  	[sflag:s8] =	ssyncadd.s32 $0xFFFF8300  }
0x1c2: {  	[hbm4b:s4+s2] =	stream.linear.scatter [tilespmem:s7], [sflag:$0x3], $0x7D00, $0x38;
	[tilespmem:$0x1F028] =	vst v63  }
0x1c3: {  	_ =	swait.ge [sflag:s5], $0x7D00  }
0x1c4: {  	[sflag:s5] =	ssyncset.done $0x0  }
0x1c5: {  	[sflag:s5] =	ssyncadd.s32 $0xFFFF8300  }
0x1c6: {  	_ =	sfence.sel $0x180000  }
0x1c7: {  	[bflag:$0x0] =	sbarrier.arrive $0xFFFF  }
0x1c8: {  	_ =	strace $0x90000047  }
0x1c9: {  	[bflag:$0x2] =	sbarrier.arrive $0xFFFF  }
0x1ca: {  	p0 =	sne.s32 s16, $0x0;
	s0 =	rddreg [dreg:$0x4]  }
0x1cb: {  	s0 =	sadd.s32 @!p0 $0x100000, s0  }
0x1cc: {  	[sflag:s0] =	ssyncadd.tile.s32 @!p0 $0x1;
	_ =	shalt  }
.LBB2_1:
.Ltmp3:
0x1cd: {  	s17 =	simm.s32 $0x40;
	(pc) =	sbr.rel .LBB2_6-.Ltmp3, $4  }
0x1ce: {  	s30 =	simm.s32 $0x60;
	s29 =	simm.s32 $0x80;
	s28 =	simm.s32 $0xA0  }
0x1cf: {  	s26 =	simm.s32 $0xC0;
	s25 =	simm.s32 $0xE0;
	s24 =	simm.s32 $0x100  }
0x1d0: {  	s23 =	simm.s32 $0x120;
	s22 =	simm.s32 $0x140;
	s21 =	simm.s32 $0x160  }
0x1d1: {  	s20 =	simm.s32 $0x180;
	s19 =	simm.s32 $0x1A0;
	s18 =	simm.s32 $0x1C0  }
.LBB2_3:
.Ltmp4:
0x1d2: {  	s17 =	simm.s32 $0x40;
	s30 =	simm.s32 $0x60;
	(pc) =	sbr.rel .LBB2_6-.Ltmp4, $4  }
0x1d3: {  	s29 =	simm.s32 $0x80;
	s28 =	simm.s32 $0xA0;
	s26 =	simm.s32 $0xC0  }
0x1d4: {  	s25 =	simm.s32 $0xE0;
	s24 =	simm.s32 $0x100;
	s23 =	simm.s32 $0x120  }
0x1d5: {  	s22 =	simm.s32 $0x140;
	s21 =	simm.s32 $0x160;
	s20 =	simm.s32 $0x180  }
0x1d6: {  	s19 =	simm.s32 $0x1A0;
	s18 =	simm.s32 $0x1C0;
	s16 =	stileid.u32  }
.Lfunc_end2:
_tile_overlayer_lowered:
.L_overlay_start_2:
0x1d7: {  	(tag) =	ssettag $0x2  }
0x1d8: {  	s0 =	rddreg [dreg:$0x0];
	s2 =	stileid.u32  }
0x1d9: {  	s1 =	rddreg [dreg:$0x1];
	p0 =	sne.s32 s2, $0x0  }
0x1da: {  	s3 =	rddreg [dreg:$0x2];
	[bflag:$0x3] =	sbarrier.arrive $0xFFFF;
	s2 =	simm.s32 @!p0 $0x1C03  }
0x1db: {  	[timem:s3], [sflag:s2] =	dma.local @!p0 [hbm:s0], s1  }
0x1dc: {  	s0 =	simm.s32 @!p0 $0x3  }
0x1dd: {  	_ =	swait.ge @!p0 [sflag:s0], s1  }
0x1de: {  	s1 =	ssub.s32 @!p0 $0x0, s1;
	[sflag:s0] =	ssyncset.done @!p0 $0x0  }
0x1df: {  	[sflag:s0] =	ssyncadd.s32 @!p0 s1  }
0x1e0: {  	[bflag:$0x3] =	sbarrier.arrive $0xFFFF  }
0x1e1: {  	_ =	shalt  }

// kernel: sparse-core-data-format-call.cloned.1.call-start
scs
called_computation_lowered:
.L_overlay_start_0:
0x0: {  	s2 =	sld [smem:$0x3FD9]  }
0x1: {  	s3 =	sld [smem:$0x3FFE];
	_ =	sdelay $0x1  }
0x2: {  	s1 =	srdreg.scid  }
0x3: {  	s0 =	sand.u32 $0x1, s1  }
0x4: {  	s18 =	sshll.u32 s0, $0xA;
	s2 =	sadd.s32 s3, s2  }
0x5: {  	s2 =	sadd.s32 s2, s18  }
0x6: {  	[smem:$0x3FC6] =	sst s2  }
0x7: {  	_ = 	snop  }
0x8: {  	s2 =	sld [smem:$0x3FD0];
	(tm) =	ssettm $0x1  }
0x9: {  	s19 =	sld [smem:$0x3FFB];
	_ =	sdelay $0x3  }
0xa: {  	_ =	strace s19  }
0xb: {  	s3 =	sld [smem:$0x3FFC];
	_ =	sdelay $0x3  }
0xc: {  	_ =	strace s3  }
0xd: {  	s3 =	sld [smem:$0x3FFD];
	_ =	sdelay $0x3  }
0xe: {  	_ =	strace s3  }
0xf: {  	_ =	strace $0x8FFFFFFF  }
0x10: {  	s20 =	sld [smem:$0x3FDB];
	_ =	sdelay $0x1  }
0x11: {  	s4 =	simm.s32 $_scs_section_size  }
0x12: {  	s5 =	simm.s32 $_size__tile_overlayer_lowered;
	s6 =	simm.s32 $_tile_overlayer_lowered  }
0x13: {  	s23 =	simm.s32 $0x1BFF;
	s22 =	sshll.u32 s6, $0x1;
	s3 =	sadd.s32 s4, s20  }
0x14: {  	s7 =	simm.s32 $0x0;
	s21 =	sshll.u32 s5, $0x1;
	s5 =	sadd.s32 s22, s3  }
0x15: {  	[timem:s7], [sflag:s23] =	dma.local [hbm:s5], s21  }
0x16: {  	_ =	swait.ge [sflag:s23], s21  }
0x17: {  	s4 =	ssub.s32 $0x0, s21;
	[sflag:s23] =	ssyncset.done $0x0  }
0x18: {  	[sflag:s23] =	ssyncadd.s32 s4;
	_ =	sdelay $0x1  }
0x19: {  	s24 =	simm.s32 $0x1B8B  }
0x1a: {  	_ =	swait.ge [sflag:s24], $0x1  }
0x1b: {  	[sflag:s24] =	ssyncset.done $0x0  }
0x1c: {  	s26 =	simm.s32 $0x1B8E;
	s25 =	sld [smem:$0x3FFE];
	[sflag:s24] =	ssyncadd.s32 $0xFFFFFFFF  }
0x1d: {  	s27 =	simm.s32 $execute0_lowered;
	[smem:$0x3FD2] =	sst s26  }
0x1e: {  	s5 =	sshll.u32 s27, $0x1;
	_ =	strace $0x80000049;
	[dreg:$0x1] =	wrdreg $0xFFFFFFFF  }
0x1f: {  	s28 =	simm.s32 $_size_execute0_lowered;
	s3 =	sadd.s32 s3, s5;
	[dreg:$0x0] =	wrdreg $0x0  }
0x20: {  	s5 =	sshll.u32 s28, $0x1;
	[dreg:$0x2] =	wrdreg s3  }
0x21: {  	[dreg:$0x3] =	wrdreg s5  }
0x22: {  	[dreg:$0x4] =	wrdreg $0xC0  }
0x23: {  	_ =	task [dreg:s7], $0x5FFFF  }
0x24: {  	[dreg:$0x1] =	wrdreg $0xFFFFFFFF  }
0x25: {  	[dreg:$0x0] =	wrdreg $0x60  }
0x26: {  	[dreg:$0x2] =	wrdreg s25  }
0x27: {  	[dreg:$0x3] =	wrdreg s2  }
0x28: {  	[dreg:$0x4] =	wrdreg $0x9  }
0x29: {  	_ =	task.clear_ibuf [dreg:s7], $0x5FFFF;
	_ =	strace $0x90000049  }
0x2a: {  	s29 =	simm.s32 $0x9;
	_ =	strace $0x8000004B  }
0x2b: {  	_ =	swait.ge [sflag:s29], $0x1  }
0x2c: {  	[sflag:s29] =	ssyncadd.s32 $0xFFFFFFFF  }
0x2d: {  	_ =	strace $0x9000004B  }
0x2e: {  	_ =	sfence  }
0x2f: {  	s30 =	sld [smem:$0x0];
	_ =	sdelay $0x2  }
0x30: {  	s31 =	sshll.u32 s1, $0xD;
	s1 =	sshrl.u32 s1, $0x2  }
0x31: {  	s3 =	sand.u32 $0x4000, s31;
	s1 =	sadd.s32 s1, s30  }
0x32: {  	s0 =	sor.u32 s3, s0;
	s1 =	sshll.u32 s1, $0x11  }
0x33: {  	s0 =	sor.u32 s1, s0  }
0x34: {  	s0 =	sadd.s32 $0x8F2B, s0  }
0x35: {  	[sflag:s0] =	ssyncadd.remote.s32 $0x1  }
0x36: {  	_ =	sfence.sel $0xFFFF  }
0x37: {  	[dreg:$0x0] =	wrdreg $0xFFFFFFFF;
	(pc) =	sbr.abs _section_cstart, $3  }
0x38: {  	[dreg:$0x1] =	wrdreg $0xFFFFFFFF  }
0x39: {  	_ =	task.clear_ibuf [dreg:s7], $0x2FFFF;
	_ =	strace $0x9FFFFFFF  }
0x3a: {  	(tm) =	ssettm $0x7FFFFFFF  }
0x3b: {  	_ =	shalt  }
tec
execute0_lowered:
.L_overlay_start_1:
0x0: {  	(tag) =	ssettag $0x1  }
0x1: {  	s0 =	srdreg.scid;
	s5 =	rddreg [dreg:$0x0]  }
0x2: {  	s3 =	rddreg [dreg:$0x1];
	s1 =	sshll.u32 s0, $0x4  }
0x3: {  	s7 =	simm.s32 $0x1;
	s0 =	stileid.u32;
	s1 =	sand.u32 $0x10, s1  }
0x4: {  	s8 =	simm.s32 $0x2;
	s15 =	simm.s32 $0x0;
	s1 =	sor.u32 s0, s1  }
0x5: {  	s14 =	simm.s32 $0x0;
	s9 =	simm.s32 $0x0;
	s2 =	sshll.u32 s1, $0x7  }
0x6: {  	s10 =	simm.s32 $0x0;
	s11 =	simm.s32 $0x0;
	s6 =	ssub.s32 $0x4000, s2  }
0x7: {  	s13 =	simm.s32 $0x0;
	s5 =	sadd.s32 $0xA00, s5;
	s4 =	sand.u32 $0xF80, s6  }
.Ltmp0:
0x8: {  	s1 =	rddreg [dreg:$0x2];
	p0 =	sne.s32 s4, $0x0;
	(pc) =	sbr.rel .LBB1_1-.Ltmp0, $4  }
0x9: {  	_ =	strace $0x8000004A;
	s6 =	sshrl.u32 s6, $0xC;
	s7 =	simm.s32 @!p0 $0x0  }
0xa: {  	s12 =	smov.u32 s2;
	s4 =	simm.s32 $0x1;
	s6 =	sadd.s32 s7, s6  }
0xb: {  	[sflag:s4] =	ssyncpa.u1 $0x0;
	p0 =	por $0x0, $0x0;
	s6 =	sshll.u32 s6, $0x3  }
0xc: {  	[sflag:s8] =	ssyncpa.u1 $0x0;
	s8 =	simm.s32 $0x20000;
	s7 =	sor.u32 $0x1, s6  }
.LBB1_4:
0xd: {  	s20 =	sshra.s32 s20, $0x2  }
0xe: {  	s28 =	sand.u32 $0x78, s10;
	s21 =	sshll.u32 s9, $0xE;
	s22 =	sshll.u32 s10, $0x3  }
0xf: {  	s24 =	sshll.u32 s9, $0x7;
	p1 =	sgt.s32 s9, $0x368;
	s30 =	sshra.s32 s9, $0x1F  }
0x10: {  	s26 =	sshra.s32 s10, $0x1F;
	s19 =	sadd.s32 s20, s19;
	s21 =	sand.u32 $0xFFFE0000, s21  }
0x11: {  	v5 =	vld [tilespmem:s17+$0xFFFFFFD0];
	[tilespmem:s18+$0x2040 ss:$0x81] =	vst.msk $0xffff, v4;
	s23 =	sand.u32 $0xFFFFFC00, s22;
	s29 =	sand.u32 $0x380, s24;
	s22 =	sand.u32 $0x3C00, s22  }
0x12: {  	v58 =	vld [tilespmem:s17+$0xFFFFFFE0];
	[tilespmem:s18+$0x2850 ss:$0x81] =	vst.msk $0xffff, v3;
	s21 =	sadd.s32 s23, s21;
	s20 =	sor.u32 s28, s22;
	s22 =	smov.u32 s9  }
0x13: {  	v59 =	vld [tilespmem:s17+$0xFFFFFFF0];
	[tilespmem:s18+$0x3060 ss:$0x81] =	vst.msk $0xffff, v2;
	s24 =	sand.u32 s30, s9;
	s21 =	sshrl.u32 s21, $0xE;
	s22 =	simm.s32 @!p1 $0x368  }
0x14: {  	v60 =	vld [tilespmem:s17+$0x0];
	[tilespmem:s18+$0x0 ss:$0x81] =	vst.msk $0xffff, v1;
	p1 =	sgt.s32 s10, $0x3F80;
	s31 =	ssub.s32 s22, s24;
	s22 =	smov.u32 s10  }
0x15: {  	v61 =	vld [tilespmem:s17+$0x10];
	[tilespmem:s19+$0x3870 ss:$0x81] =	vst.msk $0xffff, v0;
	s25 =	smulhi.u32 $0x418938, s21;
	s24 =	sand.u32 s26, s10;
	s22 =	simm.s32 @!p1 $0x3F80  }
0x16: {  	v62 =	vld [tilespmem:s17+$0x20];
	s20 =	sor.u32 s29, s20;
	[tilespmem:s19+$0x810 ss:$0x81] =	vst.msk $0xffff, v5;
	s27 =	sadd.s32 $0xFFFFFC98, s31;
	s22 =	ssub.s32 s22, s24  }
0x17: {  	v63 =	vld [tilespmem:s17+$0xFFFFFFC0];
	[tilespmem:s19+$0x1020 ss:$0x81] =	vst.msk $0xffff, v58;
	s18 =	ssub.s32 $0x3E8, s31;
	s28 =	smul.u32 $0x3E8, s25;
	s29 =	sadd.s32 $0xFFFFC080, s22  }
0x18: {  	[tilespmem:s19+$0x1830 ss:$0x81] =	vst.msk $0xffff, v59;
	p1 =	sgt.s32 s27, $0x7F;
	s22 =	ssub.s32 $0x4000, s22;
	p2 =	sgt.s32 s29, $0x7F  }
0x19: {  	s30 =	sand.u32 $0x7, s10;
	[tilespmem:s19+$0x2040 ss:$0x81] =	vst.msk $0xffff, v60;
	s18 =	simm.s32 @p1 $0x0;
	s22 =	simm.s32 @p2 $0x0  }
0x1a: {  	s20 =	sshrl.u32 s20, $0x3;
	[tilespmem:s19+$0x2850 ss:$0x81] =	vst.msk $0xffff, v61;
	s17 =	ssub.s32 s21, s28;
	s18 =	smul.u32 s22, s18  }
0x1b: {  	[tilespmem:s19+$0x3060 ss:$0x81] =	vst.msk $0xffff, v62;
	s20 =	sadd.s32 s3, s20;
	s21 =	sshll.u32 s30, $0x12;
	s17 =	sshll.u32 s17, $0xB  }
0x1c: {  	[tilespmem:s19+$0x0 ss:$0x81] =	vst.msk $0xffff, v63;
	s31 =	sor.u32 $0x400, s21;
	s17 =	sadd.s32 s17, s20;
	s18 =	sand.u32 $0x3FFFFFFF, s18  }
0x1d: {  	[hbm4b:s17+s31] =	stream.strided.scatter [tilespmem:s16], [sflag:$0x2], s18, s8, s31, $0x20;
	[tilespmem:$0x10100] =	vst v63  }
.LBB1_5:
0x1e: {  	p1 =	slt.u32 s13, $0x2  }
0x1f: {  	s17 =	smov.u32 s15;
	p2 =	sgt.s32 @!p1 s15, $0x368;
	s16 =	sshra.s32 @!p1 s15, $0x1F  }
0x20: {  	p3 =	sgt.s32 @!p1 s14, $0x3F80;
	s18 =	sshra.s32 @!p1 s14, $0x1F;
	p2 =	por !p2, p1  }
0x21: {  	s15 =	sand.u32 @!p1 s16, s15;
	p3 =	por !p3, p1;
	s16 =	smov.u32 s14  }
0x22: {  	s14 =	sand.u32 @!p1 s18, s14;
	s17 =	simm.s32 @p2 $0x368;
	s16 =	simm.s32 @p3 $0x3F80  }
0x23: {  	s15 =	ssub.s32 @!p1 s17, s15;
	s14 =	ssub.s32 @!p1 s16, s14  }
0x24: {  	s18 =	smov.u32 s12;
	s16 =	sadd.s32 @!p1 $0xFFFFFC98, s15;
	s17 =	sadd.s32 @!p1 $0xFFFFC080, s14  }
0x25: {  	s15 =	ssub.s32 @!p1 $0x3E8, s15;
	p2 =	sgt.s32 @!p1 s16, $0x7F;
	p3 =	sgt.s32 @!p1 s17, $0x7F  }
0x26: {  	s14 =	ssub.s32 @!p1 $0x4000, s14;
	p2 =	por !p2, p1;
	p3 =	por !p3, p1  }
0x27: {  	s16 =	sadd.s32 $0x80, s11;
	s15 =	simm.s32 @!p2 $0x0;
	s14 =	simm.s32 @!p3 $0x0  }
0x28: {  	p2 =	sgt.s32 s16, $0x3E7;
	s14 =	smul.u32 @!p1 s14, s15;
	s15 =	sadd.s32 $0x1000, s12  }
0x29: {  	s18 =	smov.u32 @p2 s15  }
0x2a: {  	s16 =	simm.s32 @p2 $0x0;
	p2 =	sgt.s32 s18, $0x3FFF  }
0x2b: {  	s18 =	smov.u32 @p2 s2;
	p2 =	sne.s32 s13, s7  }
.Ltmp1:
0x2c: {  	p0 =	por !p0, !p0;
	s17 =	simm.s32 @!p1 $0x2;
	(pc) =	sbr.rel @!p2 .LBB1_6-.Ltmp1, $4  }
0x2d: {  	s15 =	smov.u32 s9;
	s9 =	smov.u32 s11;
	s14 =	sand.u32 @!p1 $0x3FFFFFFF, s14  }
0x2e: {  	s11 =	smov.u32 s16;
	_ =	swait.ge @!p1 [sflag:s17], s14;
	s19 =	ssub.s32 @!p1 $0x0, s14  }
0x2f: {  	s14 =	smov.u32 s10;
	s13 =	sadd.s32 $0x1, s13;
	[sflag:s17] =	ssyncset.done @!p1 $0x0  }
0x30: {  	s10 =	smov.u32 s12;
	s12 =	smov.u32 s18;
	[sflag:s17] =	ssyncadd.s32 @!p1 s19  }
.LBB1_1:
0x31: {  	p1 =	sge.u32 s13, s6  }
0x32: {  	s31 =	sadd.s32 $0xFFFFFFFF, s13;
	s16 =	sshll.u32 @!p1 s12, $0xA  }
0x33: {  	s17 =	sshll.u32 @!p1 s11, $0x3;
	s18 =	sshll.u32 @!p1 s12, $0x7;
	s16 =	sand.u32 @!p1 $0xFFE000, s16  }
0x34: {  	s19 =	sand.u32 @!p1 $0x78, s11;
	s16 =	sadd.s32 @!p1 s16, s17;
	s17 =	sand.u32 @!p1 $0x380, s18  }
0x35: {  	s18 =	sxor.u32 @!p1 $0xFFFFFFFF, s13;
	s16 =	sand.u32 @!p1 $0xFFFC00, s16;
	s17 =	sor.u32 @!p1 s17, s19  }
0x36: {  	s18 =	sshll.u32 @!p1 s18, $0xE;
	s16 =	sor.u32 @!p1 s16, s17;
	s17 =	sand.u32 @!p1 $0x7, s11  }
0x37: {  	s19 =	simm.s32 @!p1 $0x2000;
	s16 =	sshrl.u32 @!p1 s16, $0x3;
	s17 =	sshll.u32 @!p1 s17, $0x12  }
0x38: {  	s18 =	sand.u32 @!p1 $0x4000, s18;
	s16 =	sadd.s32 @!p1 s5, s16;
	s17 =	sor.u32 @!p1 $0x400, s17  }
0x39: {  	[tilespmem:s18], [sflag:$0x1] =	stream.strided.gather @!p1 [hbm4b:s16+s17], $0x4000, s19, s17, $0x38;
	[tilespmem:$0x10100] =	vst v63  }
0x3a: {  	p1 =	sge.u32 s31, s6  }
.Ltmp2:
0x3b: {  	_ = 	snop;
	(pc) =	sbr.rel @p1 .LBB1_5-.Ltmp2, $1  }
0x3c: {  	_ =	sdelay $0x3  }
0x3d: {  	s16 =	simm.s32 $0x1  }
0x3e: {  	_ =	swait.ge [sflag:s4], $0x4000;
	s16 =	simm.s32 @!p0 $0x0  }
0x3f: {  	[sflag:s4] =	ssyncset.done $0x0;
	s17 =	sshll.u32 s16, $0xE  }
0x40: {  	[sflag:s4] =	ssyncadd.s32 $0xFFFFC000;
	s17 =	sor.u32 $0x40, s17  }
0x41: {  	s16 =	smul.u32 $0x10200, s16;
	v0 =	vld [tilespmem:s17+$0x30]  }
0x42: {  	v1 =	vld [tilespmem:s17+$0xFFFFFFD0]  }
0x43: {  	s16 =	sshrl.u32 s16, $0x2;
	v5 =	vld [tilespmem:s17+$0xFFFFFFE0]  }
0x44: {  	v6 =	vld [tilespmem:s17+$0xFFFFFFF0];
	s19 =	sor.u32 $0x8000, s16  }
0x45: {  	s31 =	sand.u32 $0x1, s13;
	v4 =	vld [tilespmem:s17+$0x0];
	s18 =	sadd.s32 $0x0, s19  }
0x46: {  	v3 =	vld [tilespmem:s17+$0x10];
	s16 =	smul.u32 $0x10200, s31;
	[tilespmem:s18+$0x3870 ss:$0x81] =	vst.msk $0xffff, v0  }
0x47: {  	v2 =	vld [tilespmem:s17+$0x20];
	[tilespmem:s18+$0x810 ss:$0x81] =	vst.msk $0xffff, v1  }
0x48: {  	s16 =	sshrl.u32 s16, $0x2;
	v1 =	vld [tilespmem:s17+$0xFFFFFFC0];
	[tilespmem:s18+$0x1020 ss:$0x81] =	vst.msk $0xffff, v5;
	s17 =	sadd.s32 $0x80, s17  }
0x49: {  	s20 =	simm.s32 $0x4;
	s21 =	simm.s32 $0x8;
	s16 =	sor.u32 $0x8000, s16;
	[tilespmem:s18+$0x1830 ss:$0x81] =	vst.msk $0xffff, v6;
	v0 =	vld [tilespmem:s17+$0x30]  }
.LBB1_3:
0x4a: {  	p1 =	sne.s32 s21, $0x1FC;
	v5 =	vld [tilespmem:s17+$0xFFFFFFD0];
	[tilespmem:s18+$0x2040 ss:$0x81] =	vst.msk $0xffff, v4  }
0x4b: {  	v6 =	vld [tilespmem:s17+$0xFFFFFFE0];
	[tilespmem:s18+$0x2850 ss:$0x81] =	vst.msk $0xffff, v3  }
0x4c: {  	s22 =	sshra.s32 s20, $0x2;
	s20 =	smov.u32 s21;
	v7 =	vld [tilespmem:s17+$0xFFFFFFF0];
	[tilespmem:s18+$0x3060 ss:$0x81] =	vst.msk $0xffff, v2  }
.Ltmp3:
0x4d: {  	v4 =	vld [tilespmem:s17+$0x0];
	[tilespmem:s18+$0x0 ss:$0x81] =	vst.msk $0xffff, v1;
	s18 =	sadd.s32 s22, s19;
	(pc) =	sbr.rel @p1 .LBB1_3-.Ltmp3, $4  }
0x4e: {  	v3 =	vld [tilespmem:s17+$0x10];
	[tilespmem:s18+$0x3870 ss:$0x81] =	vst.msk $0xffff, v0  }
0x4f: {  	[tilespmem:s18+$0x810 ss:$0x81] =	vst.msk $0xffff, v5;
	v2 =	vld [tilespmem:s17+$0x20]  }
0x50: {  	v1 =	vld [tilespmem:s17+$0xFFFFFFC0];
	[tilespmem:s18+$0x1020 ss:$0x81] =	vst.msk $0xffff, v6;
	s17 =	sadd.s32 $0x80, s17  }
0x51: {  	s21 =	sadd.s32 $0x4, s21;
	v0 =	vld [tilespmem:s17+$0x30];
	[tilespmem:s18+$0x1830 ss:$0x81] =	vst.msk $0xffff, v7  }
.Ltmp4:
0x52: {  	_ = 	snop;
	(pc) =	sbr.rel .LBB1_4-.Ltmp4, $1  }
0x53: {  	_ =	sdelay $0x3  }
.LBB1_6:
0x54: {  	_ =	sfence.sel $0x180000  }
0x55: {  	s2 =	simm.s32 $0x1;
	[bflag:$0x0] =	sbarrier.arrive $0xFFFF  }
0x56: {  	s31 =	simm.s32 $0x2;
	[sflag:s2] =	ssyncpa.u1 $0x1  }
0x57: {  	[sflag:s31] =	ssyncpa.u1 $0x1  }
0x58: {  	p0 =	sne.s32 s0, $0x0;
	_ =	strace $0x9000004A  }
0x59: {  	s0 =	sadd.s32 @!p0 $0x100000, s1;
	[bflag:$0x2] =	sbarrier.arrive $0xFFFF  }
0x5a: {  	[sflag:s0] =	ssyncadd.tile.s32 @!p0 $0x1;
	_ =	shalt  }
.Lfunc_end1:
_tile_overlayer_lowered:
.L_overlay_start_2:
0x5b: {  	(tag) =	ssettag $0x2  }
0x5c: {  	s0 =	rddreg [dreg:$0x0];
	s2 =	stileid.u32  }
0x5d: {  	s1 =	rddreg [dreg:$0x1];
	p0 =	sne.s32 s2, $0x0  }
0x5e: {  	s3 =	rddreg [dreg:$0x2];
	[bflag:$0x3] =	sbarrier.arrive $0xFFFF;
	s2 =	simm.s32 @!p0 $0x1C01  }
0x5f: {  	[timem:s3], [sflag:s2] =	dma.local @!p0 [hbm:s0], s1  }
0x60: {  	s0 =	simm.s32 @!p0 $0x1  }
0x61: {  	_ =	swait.ge @!p0 [sflag:s0], s1  }
0x62: {  	s1 =	ssub.s32 @!p0 $0x0, s1;
	[sflag:s0] =	ssyncset.done @!p0 $0x0  }
0x63: {  	[sflag:s0] =	ssyncadd.s32 @!p0 s1  }
0x64: {  	[bflag:$0x3] =	sbarrier.arrive $0xFFFF  }
0x65: {  	_ =	shalt  }

</sc_bundles>
